<compile_context>
chip_gen: v7x
topology: tpu7x:2x2x1
jax: 0.10.2.dev20260603
libtpu: 0.0.44.dev20260713+nightly
codegen_flags: <defaults>
</compile_context>

<pallas_src>
import functools

import jax
import jax.numpy as jnp
from jax import lax
from jax.experimental import pallas as pl
from jax.experimental.pallas import tpu as pltpu
from jax.experimental.pallas import tpu_sc as plsc

B_SZ = 4
L_SZ = 2048
D_MODEL = 768
N_TOKENS = B_SZ * L_SZ
NUM_WORKERS = 32
ROWS_PER_WORKER = N_TOKENS // NUM_WORKERS
W_PER_ROW = L_SZ // ROWS_PER_WORKER
CHUNK = 16
NCHUNK = ROWS_PER_WORKER // CHUNK
NBUF = 8
OUT_MERGE = 2
NPAIR = NBUF // OUT_MERGE
RING_ROWS = NBUF * CHUNK

_MESH = plsc.VectorSubcoreMesh(core_axis_name="c", subcore_axis_name="s")


@functools.partial(
    pl.kernel,
    mesh=_MESH,
    out_type=jax.ShapeDtypeStruct((N_TOKENS, D_MODEL), jnp.float32),
    scratch_types=[
        pltpu.VMEM((ROWS_PER_WORKER,), jnp.int32),
        pltpu.VMEM((RING_ROWS, D_MODEL), jnp.float32),
    ]
    + [pltpu.SemaphoreType.DMA] * (NBUF + NPAIR + 1),
)
def _embed_gather(ids_hbm, table_hbm, out_hbm, idx_v, rows_v, *sems):
    gsems, osems, isem = sems[:NBUF], sems[NBUF:NBUF + NPAIR], sems[-1]
    wid = lax.axis_index("s") * 2 + lax.axis_index("c")
    base = wid * ROWS_PER_WORKER
    half = ROWS_PER_WORKER // 2
    row = wid // W_PER_ROW
    col = (wid % W_PER_ROW) * ROWS_PER_WORKER
    pltpu.sync_copy(ids_hbm.at[row, pl.ds(col, half)],
                    idx_v.at[pl.ds(0, half)])
    idx_rest = pltpu.async_copy(ids_hbm.at[row, pl.ds(col + half, half)],
                                idx_v.at[pl.ds(half, half)], isem)

    gathers = [None] * NCHUNK
    outs = {}
    out_waited = set()

    def start_gather(j):
        b = j % NBUF
        gathers[j] = pltpu.async_copy(
            table_hbm.at[idx_v.at[pl.ds(j * CHUNK, CHUNK)]],
            rows_v.at[pl.ds(b * CHUNK, CHUNK)], gsems[b])

    def ensure_out_done(p):
        if p in outs and p not in out_waited:
            outs[p].wait()
            out_waited.add(p)

    assert (NBUF - 1) * CHUNK <= ROWS_PER_WORKER // 2
    for j in range(min(NBUF - 1, NCHUNK)):
        start_gather(j)
    idx_rest.wait()

    for j in range(NCHUNK):
        gathers[j].wait()
        if j % OUT_MERGE == OUT_MERGE - 1:
            p = j // OUT_MERGE
            b0 = (j - OUT_MERGE + 1) % NBUF
            outs[p] = pltpu.async_copy(
                rows_v.at[pl.ds(b0 * CHUNK, OUT_MERGE * CHUNK)],
                out_hbm.at[pl.ds(base + (j - OUT_MERGE + 1) * CHUNK,
                                 OUT_MERGE * CHUNK)],
                osems[p % NPAIR])
        nj = j + NBUF - 1
        if nj < NCHUNK:
            prev = nj - NBUF
            if prev >= 0:
                ensure_out_done(prev // OUT_MERGE)
            start_gather(nj)

    for p in range(NCHUNK // OUT_MERGE):
        ensure_out_done(p)


def kernel(input_ids, embedding_table):
    b, l = input_ids.shape
    flat = _embed_gather(input_ids.astype(jnp.int32), embedding_table)
    return flat.reshape(b, l, D_MODEL)

# --- scband reference (transcript-rebuilt; emitter-appended) ---
"""Pipeline reference for scband-language-encoder-86414741995840 (READ-ONLY COPY).

The authoritative reference and input builder live on the scoring server;
editing this copy changes nothing except your own understanding.
"""

import jax, jax.numpy as jnp
import numpy as np

VOCAB = 32128
D_MODEL = 768
B = 4
L = 2048

def setup_inputs(seed: int = 0) -> dict:
    key = jax.random.key(seed)
    k_ids, k_emb = jax.random.split(key)
    input_ids = jax.random.randint(k_ids, (B, L), 0, VOCAB, dtype=jnp.int64 if jax.config.jax_enable_x64 else jnp.int32)
    embedding_table = jax.random.normal(k_emb, (VOCAB, D_MODEL), dtype=jnp.float32) * 0.02
    return {"input_ids": input_ids, "embedding_table": embedding_table}

def reference(input_ids, embedding_table):
    # Faithful translation of nn.Embedding forward: row gather from the table.
    return jnp.take(embedding_table, input_ids, axis=0)

if __name__ == "__main__":
    import jax
    _d = setup_inputs()
    print(jax.jit(kernel)(*tuple(_d.values())))

</pallas_src>

<mosaic_0001>
#map = affine_map<(d0, d1) -> (0, 0)>
module attributes {stable_mosaic.version = 14 : i64} {
  func.func @_embed_gather(%arg0: i32, %arg1: i32, %arg2: memref<4x2048xi32, #tpu.memory_space<hbm>>, %arg3: memref<32128x768xf32, #tpu.memory_space<hbm>>, %arg4: memref<8192x768xf32, #tpu.memory_space<hbm>>, %arg5: memref<256xi32, #tpu.memory_space<vmem>>, %arg6: memref<128x768xf32, #tpu.memory_space<vmem>>, %arg7: memref<!tpu.dma_semaphore, #tpu.memory_space<semaphore_mem>>, %arg8: memref<!tpu.dma_semaphore, #tpu.memory_space<semaphore_mem>>, %arg9: memref<!tpu.dma_semaphore, #tpu.memory_space<semaphore_mem>>, %arg10: memref<!tpu.dma_semaphore, #tpu.memory_space<semaphore_mem>>, %arg11: memref<!tpu.dma_semaphore, #tpu.memory_space<semaphore_mem>>, %arg12: memref<!tpu.dma_semaphore, #tpu.memory_space<semaphore_mem>>, %arg13: memref<!tpu.dma_semaphore, #tpu.memory_space<semaphore_mem>>, %arg14: memref<!tpu.dma_semaphore, #tpu.memory_space<semaphore_mem>>, %arg15: memref<!tpu.dma_semaphore, #tpu.memory_space<semaphore_mem>>, %arg16: memref<!tpu.dma_semaphore, #tpu.memory_space<semaphore_mem>>, %arg17: memref<!tpu.dma_semaphore, #tpu.memory_space<semaphore_mem>>, %arg18: memref<!tpu.dma_semaphore, #tpu.memory_space<semaphore_mem>>, %arg19: memref<!tpu.dma_semaphore, #tpu.memory_space<semaphore_mem>>) attributes {dimension_semantics = [#tpu.dimension_semantics<core_parallel>, #tpu.dimension_semantics<subcore_parallel>], iteration_bounds = array<i64: 2, 16>, scalar_prefetch = 0 : i64, scratch_operands = 15 : i64, tpu.core_type = #tpu.core_type<sc_vector_subcore>, window_params = [{transform_indices = #map}, {transform_indices = #map}, {transform_indices = #map}]} {
    %mul3A = arith.constant 2 : i32
    %mul3A_0 = arith.muli %arg1, %mul3A : i32
    %add3A = arith.addi %mul3A_0, %arg0 : i32
    %mul3A_1 = arith.constant 256 : i32
    %mul3A_2 = arith.muli %add3A, %mul3A_1 : i32
    %jit3A = arith.constant 8 : i32
    %div3A = arith.divsi %add3A, %jit3A : i32
    %sign3A = arith.constant 0 : i32
    %sign3A_3 = arith.cmpi sgt, %add3A, %sign3A : i32
    %sign3A_4 = arith.extui %sign3A_3 : i1 to i32
    %sign3A_5 = arith.constant 0 : i32
    %sign3A_6 = arith.cmpi slt, %add3A, %sign3A_5 : i32
    %sign3A_7 = arith.extui %sign3A_6 : i1 to i32
    %sign3A_8 = arith.subi %sign3A_4, %sign3A_7 : i32
    %sign3A_9 = arith.constant 0 : i32
    %sign3A_10 = arith.cmpi sgt, %jit3A, %sign3A_9 : i32
    %sign3A_11 = arith.extui %sign3A_10 : i1 to i32
    %sign3A_12 = arith.constant 0 : i32
    %sign3A_13 = arith.cmpi slt, %jit3A, %sign3A_12 : i32
    %sign3A_14 = arith.extui %sign3A_13 : i1 to i32
    %sign3A_15 = arith.subi %sign3A_11, %sign3A_14 : i32
    %ne3A = arith.cmpi ne, %sign3A_8, %sign3A_15 : i32
    %rem3A = arith.remsi %add3A, %jit3A : i32
    %ne3A_16 = arith.constant 0 : i32
    %ne3A_17 = arith.cmpi ne, %rem3A, %ne3A_16 : i32
    %and3A = arith.andi %ne3A, %ne3A_17 : i1
    %sub3A = arith.constant 1 : i32
    %sub3A_18 = arith.subi %div3A, %sub3A : i32
    %select_n3A = arith.select %and3A, %sub3A_18, %div3A : i32
    %jit3A_19 = arith.constant 8 : i32
    %eq3A = arith.constant 0 : i32
    %eq3A_20 = arith.cmpi eq, %jit3A_19, %eq3A : i32
    %jit3A_21 = arith.constant 1 : i32
    %select_n3A_22 = arith.select %eq3A_20, %jit3A_21, %jit3A_19 : i32
    %rem3A_23 = arith.remsi %add3A, %select_n3A_22 : i32
    %ne3A_24 = arith.constant 0 : i32
    %ne3A_25 = arith.cmpi ne, %rem3A_23, %ne3A_24 : i32
    %lt3A = arith.constant 0 : i32
    %lt3A_26 = arith.cmpi slt, %rem3A_23, %lt3A : i32
    %lt3A_27 = arith.constant 0 : i32
    %lt3A_28 = arith.cmpi slt, %select_n3A_22, %lt3A_27 : i32
    %ne3A_29 = arith.xori %lt3A_26, %lt3A_28 : i1
    %and3A_30 = arith.andi %ne3A_29, %ne3A_25 : i1
    %add3A_31 = arith.addi %rem3A_23, %select_n3A_22 : i32
    %select_n3A_32 = arith.select %and3A_30, %add3A_31, %rem3A_23 : i32
    %mul3A_33 = arith.constant 256 : i32
    %mul3A_34 = arith.muli %select_n3A_32, %mul3A_33 : i32
    "tpu.region"() ({
      %run_scoped3A = tpu.sem_alloc : memref<!tpu.dma_semaphore, #tpu.memory_space<semaphore_mem>>
      %dma_start3A_483 = arith.constant 0 : i32
      %dma_start3A_484 = tpu.memref_slice %arg5[%dma_start3A_483] : memref<256xi32, #tpu.memory_space<vmem>> -> memref<128xi32, #tpu.memory_space<vmem>>
      %dma_start3A_485 = tpu.memref_slice %arg2[%select_n3A, %mul3A_34] : memref<4x2048xi32, #tpu.memory_space<hbm>> -> memref<1x128xi32, #tpu.memory_space<hbm>>
      %dma_start3A_486 = tpu.memref_squeeze %dma_start3A_485 : memref<1x128xi32, #tpu.memory_space<hbm>> -> memref<128xi32, #tpu.memory_space<hbm>>
      %dma_start3A_487 = arith.constant 0 : i32
      %dma_start3A_488 = tpu.memref_slice %arg5[%dma_start3A_487] : memref<256xi32, #tpu.memory_space<vmem>> -> memref<128xi32, #tpu.memory_space<vmem>>
      %dma_start3A_489 = tpu.memref_slice %arg2[%select_n3A, %mul3A_34] : memref<4x2048xi32, #tpu.memory_space<hbm>> -> memref<1x128xi32, #tpu.memory_space<hbm>>
      %dma_start3A_490 = tpu.memref_squeeze %dma_start3A_489 : memref<1x128xi32, #tpu.memory_space<hbm>> -> memref<128xi32, #tpu.memory_space<hbm>>
      tpu.enqueue_dma source(%dma_start3A_490 : memref<128xi32, #tpu.memory_space<hbm>>) target(%dma_start3A_488 : memref<128xi32, #tpu.memory_space<vmem>>) target_semaphore(%run_scoped3A : memref<!tpu.dma_semaphore, #tpu.memory_space<semaphore_mem>>)
      %dma_wait3A_491 = arith.constant 0 : i32
      %dma_wait3A_492 = tpu.memref_slice %arg5[%dma_wait3A_491] : memref<256xi32, #tpu.memory_space<vmem>> -> memref<128xi32, #tpu.memory_space<vmem>>
      %dma_wait3A_493 = tpu.memref_slice %arg2[%select_n3A, %mul3A_34] : memref<4x2048xi32, #tpu.memory_space<hbm>> -> memref<1x128xi32, #tpu.memory_space<hbm>>
      %dma_wait3A_494 = tpu.memref_squeeze %dma_wait3A_493 : memref<1x128xi32, #tpu.memory_space<hbm>> -> memref<128xi32, #tpu.memory_space<hbm>>
      %dma_wait3A_495 = arith.constant 0 : i32
      %dma_wait3A_496 = tpu.memref_slice %arg5[%dma_wait3A_495] : memref<256xi32, #tpu.memory_space<vmem>> -> memref<128xi32, #tpu.memory_space<vmem>>
      %dma_wait3A_497 = tpu.memref_slice %arg2[%select_n3A, %mul3A_34] : memref<4x2048xi32, #tpu.memory_space<hbm>> -> memref<1x128xi32, #tpu.memory_space<hbm>>
      %dma_wait3A_498 = tpu.memref_squeeze %dma_wait3A_497 : memref<1x128xi32, #tpu.memory_space<hbm>> -> memref<128xi32, #tpu.memory_space<hbm>>
      tpu.wait_dma2 semaphore(%run_scoped3A : memref<!tpu.dma_semaphore, #tpu.memory_space<semaphore_mem>>) src(%dma_wait3A_498 : memref<128xi32, #tpu.memory_space<hbm>>) dst(%dma_wait3A_496 : memref<128xi32, #tpu.memory_space<vmem>>)
      tpu.yield
    }) : () -> ()
    %add3A_35 = arith.constant 128 : i32
    %add3A_36 = arith.addi %mul3A_34, %add3A_35 : i32
    %dma_start3A = arith.constant 128 : i32
    %dma_start3A_37 = tpu.memref_slice %arg5[%dma_start3A] : memref<256xi32, #tpu.memory_space<vmem>> -> memref<128xi32, #tpu.memory_space<vmem>>
    %dma_start3A_38 = tpu.memref_slice %arg2[%select_n3A, %add3A_36] : memref<4x2048xi32, #tpu.memory_space<hbm>> -> memref<1x128xi32, #tpu.memory_space<hbm>>
    %dma_start3A_39 = tpu.memref_squeeze %dma_start3A_38 : memref<1x128xi32, #tpu.memory_space<hbm>> -> memref<128xi32, #tpu.memory_space<hbm>>
    %dma_start3A_40 = arith.constant 128 : i32
    %dma_start3A_41 = tpu.memref_slice %arg5[%dma_start3A_40] : memref<256xi32, #tpu.memory_space<vmem>> -> memref<128xi32, #tpu.memory_space<vmem>>
    %dma_start3A_42 = tpu.memref_slice %arg2[%select_n3A, %add3A_36] : memref<4x2048xi32, #tpu.memory_space<hbm>> -> memref<1x128xi32, #tpu.memory_space<hbm>>
    %dma_start3A_43 = tpu.memref_squeeze %dma_start3A_42 : memref<1x128xi32, #tpu.memory_space<hbm>> -> memref<128xi32, #tpu.memory_space<hbm>>
    tpu.enqueue_dma source(%dma_start3A_43 : memref<128xi32, #tpu.memory_space<hbm>>) target(%dma_start3A_41 : memref<128xi32, #tpu.memory_space<vmem>>) target_semaphore(%arg19 : memref<!tpu.dma_semaphore, #tpu.memory_space<semaphore_mem>>)
    %dma_start3A_44 = arith.constant 0 : i32
    %dma_start3A_45 = arith.constant 0 : i32
    %dma_start3A_46 = tpu.memref_slice %arg6[%dma_start3A_44, %dma_start3A_45] : memref<128x768xf32, #tpu.memory_space<vmem>> -> memref<16x768xf32, #tpu.memory_space<vmem>>
    %dma_start3A_47 = arith.constant 0 : i32
    %dma_start3A_48 = tpu.memref_slice %arg5[%dma_start3A_47] : memref<256xi32, #tpu.memory_space<vmem>> -> memref<16xi32, #tpu.memory_space<vmem>>
    %dma_start3A_49 = arith.constant 0 : i32
    %dma_start3A_50 = arith.constant 0 : i32
    %dma_start3A_51 = tpu.memref_slice %arg3[%dma_start3A_49, %dma_start3A_50] : memref<32128x768xf32, #tpu.memory_space<hbm>> -> memref<32128x768xf32, #tpu.memory_space<hbm>>
    tpu.enqueue_indirect_dma source(%dma_start3A_51 : memref<32128x768xf32, #tpu.memory_space<hbm>>) target(%dma_start3A_46 : memref<16x768xf32, #tpu.memory_space<vmem>>) offsets(%dma_start3A_48 : memref<16xi32, #tpu.memory_space<vmem>>) semaphore(%arg7 : memref<!tpu.dma_semaphore, #tpu.memory_space<semaphore_mem>>)
    %dma_start3A_52 = arith.constant 16 : i32
    %dma_start3A_53 = arith.constant 0 : i32
    %dma_start3A_54 = tpu.memref_slice %arg6[%dma_start3A_52, %dma_start3A_53] : memref<128x768xf32, #tpu.memory_space<vmem>> -> memref<16x768xf32, #tpu.memory_space<vmem>>
    %dma_start3A_55 = arith.constant 16 : i32
    %dma_start3A_56 = tpu.memref_slice %arg5[%dma_start3A_55] : memref<256xi32, #tpu.memory_space<vmem>> -> memref<16xi32, #tpu.memory_space<vmem>>
    %dma_start3A_57 = arith.constant 0 : i32
    %dma_start3A_58 = arith.constant 0 : i32
    %dma_start3A_59 = tpu.memref_slice %arg3[%dma_start3A_57, %dma_start3A_58] : memref<32128x768xf32, #tpu.memory_space<hbm>> -> memref<32128x768xf32, #tpu.memory_space<hbm>>
    tpu.enqueue_indirect_dma source(%dma_start3A_59 : memref<32128x768xf32, #tpu.memory_space<hbm>>) target(%dma_start3A_54 : memref<16x768xf32, #tpu.memory_space<vmem>>) offsets(%dma_start3A_56 : memref<16xi32, #tpu.memory_space<vmem>>) semaphore(%arg8 : memref<!tpu.dma_semaphore, #tpu.memory_space<semaphore_mem>>)
    %dma_start3A_60 = arith.constant 32 : i32
    %dma_start3A_61 = arith.constant 0 : i32
    %dma_start3A_62 = tpu.memref_slice %arg6[%dma_start3A_60, %dma_start3A_61] : memref<128x768xf32, #tpu.memory_space<vmem>> -> memref<16x768xf32, #tpu.memory_space<vmem>>
    %dma_start3A_63 = arith.constant 32 : i32
    %dma_start3A_64 = tpu.memref_slice %arg5[%dma_start3A_63] : memref<256xi32, #tpu.memory_space<vmem>> -> memref<16xi32, #tpu.memory_space<vmem>>
    %dma_start3A_65 = arith.constant 0 : i32
    %dma_start3A_66 = arith.constant 0 : i32
    %dma_start3A_67 = tpu.memref_slice %arg3[%dma_start3A_65, %dma_start3A_66] : memref<32128x768xf32, #tpu.memory_space<hbm>> -> memref<32128x768xf32, #tpu.memory_space<hbm>>
    tpu.enqueue_indirect_dma source(%dma_start3A_67 : memref<32128x768xf32, #tpu.memory_space<hbm>>) target(%dma_start3A_62 : memref<16x768xf32, #tpu.memory_space<vmem>>) offsets(%dma_start3A_64 : memref<16xi32, #tpu.memory_space<vmem>>) semaphore(%arg9 : memref<!tpu.dma_semaphore, #tpu.memory_space<semaphore_mem>>)
    %dma_start3A_68 = arith.constant 48 : i32
    %dma_start3A_69 = arith.constant 0 : i32
    %dma_start3A_70 = tpu.memref_slice %arg6[%dma_start3A_68, %dma_start3A_69] : memref<128x768xf32, #tpu.memory_space<vmem>> -> memref<16x768xf32, #tpu.memory_space<vmem>>
    %dma_start3A_71 = arith.constant 48 : i32
    %dma_start3A_72 = tpu.memref_slice %arg5[%dma_start3A_71] : memref<256xi32, #tpu.memory_space<vmem>> -> memref<16xi32, #tpu.memory_space<vmem>>
    %dma_start3A_73 = arith.constant 0 : i32
    %dma_start3A_74 = arith.constant 0 : i32
    %dma_start3A_75 = tpu.memref_slice %arg3[%dma_start3A_73, %dma_start3A_74] : memref<32128x768xf32, #tpu.memory_space<hbm>> -> memref<32128x768xf32, #tpu.memory_space<hbm>>
    tpu.enqueue_indirect_dma source(%dma_start3A_75 : memref<32128x768xf32, #tpu.memory_space<hbm>>) target(%dma_start3A_70 : memref<16x768xf32, #tpu.memory_space<vmem>>) offsets(%dma_start3A_72 : memref<16xi32, #tpu.memory_space<vmem>>) semaphore(%arg10 : memref<!tpu.dma_semaphore, #tpu.memory_space<semaphore_mem>>)
    %dma_start3A_76 = arith.constant 64 : i32
    %dma_start3A_77 = arith.constant 0 : i32
    %dma_start3A_78 = tpu.memref_slice %arg6[%dma_start3A_76, %dma_start3A_77] : memref<128x768xf32, #tpu.memory_space<vmem>> -> memref<16x768xf32, #tpu.memory_space<vmem>>
    %dma_start3A_79 = arith.constant 64 : i32
    %dma_start3A_80 = tpu.memref_slice %arg5[%dma_start3A_79] : memref<256xi32, #tpu.memory_space<vmem>> -> memref<16xi32, #tpu.memory_space<vmem>>
    %dma_start3A_81 = arith.constant 0 : i32
    %dma_start3A_82 = arith.constant 0 : i32
    %dma_start3A_83 = tpu.memref_slice %arg3[%dma_start3A_81, %dma_start3A_82] : memref<32128x768xf32, #tpu.memory_space<hbm>> -> memref<32128x768xf32, #tpu.memory_space<hbm>>
    tpu.enqueue_indirect_dma source(%dma_start3A_83 : memref<32128x768xf32, #tpu.memory_space<hbm>>) target(%dma_start3A_78 : memref<16x768xf32, #tpu.memory_space<vmem>>) offsets(%dma_start3A_80 : memref<16xi32, #tpu.memory_space<vmem>>) semaphore(%arg11 : memref<!tpu.dma_semaphore, #tpu.memory_space<semaphore_mem>>)
    %dma_start3A_84 = arith.constant 80 : i32
    %dma_start3A_85 = arith.constant 0 : i32
    %dma_start3A_86 = tpu.memref_slice %arg6[%dma_start3A_84, %dma_start3A_85] : memref<128x768xf32, #tpu.memory_space<vmem>> -> memref<16x768xf32, #tpu.memory_space<vmem>>
    %dma_start3A_87 = arith.constant 80 : i32
    %dma_start3A_88 = tpu.memref_slice %arg5[%dma_start3A_87] : memref<256xi32, #tpu.memory_space<vmem>> -> memref<16xi32, #tpu.memory_space<vmem>>
    %dma_start3A_89 = arith.constant 0 : i32
    %dma_start3A_90 = arith.constant 0 : i32
    %dma_start3A_91 = tpu.memref_slice %arg3[%dma_start3A_89, %dma_start3A_90] : memref<32128x768xf32, #tpu.memory_space<hbm>> -> memref<32128x768xf32, #tpu.memory_space<hbm>>
    tpu.enqueue_indirect_dma source(%dma_start3A_91 : memref<32128x768xf32, #tpu.memory_space<hbm>>) target(%dma_start3A_86 : memref<16x768xf32, #tpu.memory_space<vmem>>) offsets(%dma_start3A_88 : memref<16xi32, #tpu.memory_space<vmem>>) semaphore(%arg12 : memref<!tpu.dma_semaphore, #tpu.memory_space<semaphore_mem>>)
    %dma_start3A_92 = arith.constant 96 : i32
    %dma_start3A_93 = arith.constant 0 : i32
    %dma_start3A_94 = tpu.memref_slice %arg6[%dma_start3A_92, %dma_start3A_93] : memref<128x768xf32, #tpu.memory_space<vmem>> -> memref<16x768xf32, #tpu.memory_space<vmem>>
    %dma_start3A_95 = arith.constant 96 : i32
    %dma_start3A_96 = tpu.memref_slice %arg5[%dma_start3A_95] : memref<256xi32, #tpu.memory_space<vmem>> -> memref<16xi32, #tpu.memory_space<vmem>>
    %dma_start3A_97 = arith.constant 0 : i32
    %dma_start3A_98 = arith.constant 0 : i32
    %dma_start3A_99 = tpu.memref_slice %arg3[%dma_start3A_97, %dma_start3A_98] : memref<32128x768xf32, #tpu.memory_space<hbm>> -> memref<32128x768xf32, #tpu.memory_space<hbm>>
    tpu.enqueue_indirect_dma source(%dma_start3A_99 : memref<32128x768xf32, #tpu.memory_space<hbm>>) target(%dma_start3A_94 : memref<16x768xf32, #tpu.memory_space<vmem>>) offsets(%dma_start3A_96 : memref<16xi32, #tpu.memory_space<vmem>>) semaphore(%arg13 : memref<!tpu.dma_semaphore, #tpu.memory_space<semaphore_mem>>)
    %dma_wait3A = arith.constant 128 : i32
    %dma_wait3A_100 = tpu.memref_slice %arg5[%dma_wait3A] : memref<256xi32, #tpu.memory_space<vmem>> -> memref<128xi32, #tpu.memory_space<vmem>>
    %dma_wait3A_101 = tpu.memref_slice %arg2[%select_n3A, %add3A_36] : memref<4x2048xi32, #tpu.memory_space<hbm>> -> memref<1x128xi32, #tpu.memory_space<hbm>>
    %dma_wait3A_102 = tpu.memref_squeeze %dma_wait3A_101 : memref<1x128xi32, #tpu.memory_space<hbm>> -> memref<128xi32, #tpu.memory_space<hbm>>
    %dma_wait3A_103 = arith.constant 128 : i32
    %dma_wait3A_104 = tpu.memref_slice %arg5[%dma_wait3A_103] : memref<256xi32, #tpu.memory_space<vmem>> -> memref<128xi32, #tpu.memory_space<vmem>>
    %dma_wait3A_105 = tpu.memref_slice %arg2[%select_n3A, %add3A_36] : memref<4x2048xi32, #tpu.memory_space<hbm>> -> memref<1x128xi32, #tpu.memory_space<hbm>>
    %dma_wait3A_106 = tpu.memref_squeeze %dma_wait3A_105 : memref<1x128xi32, #tpu.memory_space<hbm>> -> memref<128xi32, #tpu.memory_space<hbm>>
    tpu.wait_dma2 semaphore(%arg19 : memref<!tpu.dma_semaphore, #tpu.memory_space<semaphore_mem>>) src(%dma_wait3A_106 : memref<128xi32, #tpu.memory_space<hbm>>) dst(%dma_wait3A_104 : memref<128xi32, #tpu.memory_space<vmem>>)
    %dma_wait3A_107 = arith.constant 0 : i32
    %dma_wait3A_108 = arith.constant 0 : i32
    %dma_wait3A_109 = tpu.memref_slice %arg6[%dma_wait3A_107, %dma_wait3A_108] : memref<128x768xf32, #tpu.memory_space<vmem>> -> memref<16x768xf32, #tpu.memory_space<vmem>>
    %dma_wait3A_110 = arith.constant 0 : i32
    %dma_wait3A_111 = tpu.memref_slice %arg5[%dma_wait3A_110] : memref<256xi32, #tpu.memory_space<vmem>> -> memref<16xi32, #tpu.memory_space<vmem>>
    %dma_wait3A_112 = arith.constant 0 : i32
    %dma_wait3A_113 = arith.constant 0 : i32
    %dma_wait3A_114 = tpu.memref_slice %arg3[%dma_wait3A_112, %dma_wait3A_113] : memref<32128x768xf32, #tpu.memory_space<hbm>> -> memref<32128x768xf32, #tpu.memory_space<hbm>>
    tpu.wait_indirect_dma semaphore(%arg7 : memref<!tpu.dma_semaphore, #tpu.memory_space<semaphore_mem>>) src(%dma_wait3A_114 : memref<32128x768xf32, #tpu.memory_space<hbm>>) dst(%dma_wait3A_109 : memref<16x768xf32, #tpu.memory_space<vmem>>)
    %dma_start3A_115 = arith.constant 112 : i32
    %dma_start3A_116 = arith.constant 0 : i32
    %dma_start3A_117 = tpu.memref_slice %arg6[%dma_start3A_115, %dma_start3A_116] : memref<128x768xf32, #tpu.memory_space<vmem>> -> memref<16x768xf32, #tpu.memory_space<vmem>>
    %dma_start3A_118 = arith.constant 112 : i32
    %dma_start3A_119 = tpu.memref_slice %arg5[%dma_start3A_118] : memref<256xi32, #tpu.memory_space<vmem>> -> memref<16xi32, #tpu.memory_space<vmem>>
    %dma_start3A_120 = arith.constant 0 : i32
    %dma_start3A_121 = arith.constant 0 : i32
    %dma_start3A_122 = tpu.memref_slice %arg3[%dma_start3A_120, %dma_start3A_121] : memref<32128x768xf32, #tpu.memory_space<hbm>> -> memref<32128x768xf32, #tpu.memory_space<hbm>>
    tpu.enqueue_indirect_dma source(%dma_start3A_122 : memref<32128x768xf32, #tpu.memory_space<hbm>>) target(%dma_start3A_117 : memref<16x768xf32, #tpu.memory_space<vmem>>) offsets(%dma_start3A_119 : memref<16xi32, #tpu.memory_space<vmem>>) semaphore(%arg14 : memref<!tpu.dma_semaphore, #tpu.memory_space<semaphore_mem>>)
    %dma_wait3A_123 = arith.constant 16 : i32
    %dma_wait3A_124 = arith.constant 0 : i32
    %dma_wait3A_125 = tpu.memref_slice %arg6[%dma_wait3A_123, %dma_wait3A_124] : memref<128x768xf32, #tpu.memory_space<vmem>> -> memref<16x768xf32, #tpu.memory_space<vmem>>
    %dma_wait3A_126 = arith.constant 16 : i32
    %dma_wait3A_127 = tpu.memref_slice %arg5[%dma_wait3A_126] : memref<256xi32, #tpu.memory_space<vmem>> -> memref<16xi32, #tpu.memory_space<vmem>>
    %dma_wait3A_128 = arith.constant 0 : i32
    %dma_wait3A_129 = arith.constant 0 : i32
    %dma_wait3A_130 = tpu.memref_slice %arg3[%dma_wait3A_128, %dma_wait3A_129] : memref<32128x768xf32, #tpu.memory_space<hbm>> -> memref<32128x768xf32, #tpu.memory_space<hbm>>
    tpu.wait_indirect_dma semaphore(%arg8 : memref<!tpu.dma_semaphore, #tpu.memory_space<semaphore_mem>>) src(%dma_wait3A_130 : memref<32128x768xf32, #tpu.memory_space<hbm>>) dst(%dma_wait3A_125 : memref<16x768xf32, #tpu.memory_space<vmem>>)
    %add3A_131 = arith.constant 0 : i32
    %add3A_132 = arith.addi %mul3A_2, %add3A_131 : i32
    %dma_start3A_133 = arith.constant 0 : i32
    %dma_start3A_134 = arith.constant 0 : i32
    %dma_start3A_135 = tpu.memref_slice %arg6[%dma_start3A_133, %dma_start3A_134] : memref<128x768xf32, #tpu.memory_space<vmem>> -> memref<32x768xf32, #tpu.memory_space<vmem>>
    %dma_start3A_136 = arith.constant 0 : i32
    %dma_start3A_137 = tpu.memref_slice %arg4[%add3A_132, %dma_start3A_136] : memref<8192x768xf32, #tpu.memory_space<hbm>> -> memref<32x768xf32, #tpu.memory_space<hbm>>
    %dma_start3A_138 = arith.constant 0 : i32
    %dma_start3A_139 = tpu.memref_slice %arg4[%add3A_132, %dma_start3A_138] : memref<8192x768xf32, #tpu.memory_space<hbm>> -> memref<32x768xf32, #tpu.memory_space<hbm>>
    %dma_start3A_140 = arith.constant 0 : i32
    %dma_start3A_141 = arith.constant 0 : i32
    %dma_start3A_142 = tpu.memref_slice %arg6[%dma_start3A_140, %dma_start3A_141] : memref<128x768xf32, #tpu.memory_space<vmem>> -> memref<32x768xf32, #tpu.memory_space<vmem>>
    tpu.enqueue_dma source(%dma_start3A_142 : memref<32x768xf32, #tpu.memory_space<vmem>>) target(%dma_start3A_139 : memref<32x768xf32, #tpu.memory_space<hbm>>) target_semaphore(%arg15 : memref<!tpu.dma_semaphore, #tpu.memory_space<semaphore_mem>>)
    %dma_wait3A_143 = arith.constant 0 : i32
    %dma_wait3A_144 = arith.constant 0 : i32
    %dma_wait3A_145 = tpu.memref_slice %arg6[%dma_wait3A_143, %dma_wait3A_144] : memref<128x768xf32, #tpu.memory_space<vmem>> -> memref<32x768xf32, #tpu.memory_space<vmem>>
    %dma_wait3A_146 = arith.constant 0 : i32
    %dma_wait3A_147 = tpu.memref_slice %arg4[%add3A_132, %dma_wait3A_146] : memref<8192x768xf32, #tpu.memory_space<hbm>> -> memref<32x768xf32, #tpu.memory_space<hbm>>
    %dma_wait3A_148 = arith.constant 0 : i32
    %dma_wait3A_149 = tpu.memref_slice %arg4[%add3A_132, %dma_wait3A_148] : memref<8192x768xf32, #tpu.memory_space<hbm>> -> memref<32x768xf32, #tpu.memory_space<hbm>>
    %dma_wait3A_150 = arith.constant 0 : i32
    %dma_wait3A_151 = arith.constant 0 : i32
    %dma_wait3A_152 = tpu.memref_slice %arg6[%dma_wait3A_150, %dma_wait3A_151] : memref<128x768xf32, #tpu.memory_space<vmem>> -> memref<32x768xf32, #tpu.memory_space<vmem>>
    tpu.wait_dma2 semaphore(%arg15 : memref<!tpu.dma_semaphore, #tpu.memory_space<semaphore_mem>>) src(%dma_wait3A_152 : memref<32x768xf32, #tpu.memory_space<vmem>>) dst(%dma_wait3A_149 : memref<32x768xf32, #tpu.memory_space<hbm>>)
    %dma_start3A_153 = arith.constant 0 : i32
    %dma_start3A_154 = arith.constant 0 : i32
    %dma_start3A_155 = tpu.memref_slice %arg6[%dma_start3A_153, %dma_start3A_154] : memref<128x768xf32, #tpu.memory_space<vmem>> -> memref<16x768xf32, #tpu.memory_space<vmem>>
    %dma_start3A_156 = arith.constant 128 : i32
    %dma_start3A_157 = tpu.memref_slice %arg5[%dma_start3A_156] : memref<256xi32, #tpu.memory_space<vmem>> -> memref<16xi32, #tpu.memory_space<vmem>>
    %dma_start3A_158 = arith.constant 0 : i32
    %dma_start3A_159 = arith.constant 0 : i32
    %dma_start3A_160 = tpu.memref_slice %arg3[%dma_start3A_158, %dma_start3A_159] : memref<32128x768xf32, #tpu.memory_space<hbm>> -> memref<32128x768xf32, #tpu.memory_space<hbm>>
    tpu.enqueue_indirect_dma source(%dma_start3A_160 : memref<32128x768xf32, #tpu.memory_space<hbm>>) target(%dma_start3A_155 : memref<16x768xf32, #tpu.memory_space<vmem>>) offsets(%dma_start3A_157 : memref<16xi32, #tpu.memory_space<vmem>>) semaphore(%arg7 : memref<!tpu.dma_semaphore, #tpu.memory_space<semaphore_mem>>)
    %dma_wait3A_161 = arith.constant 32 : i32
    %dma_wait3A_162 = arith.constant 0 : i32
    %dma_wait3A_163 = tpu.memref_slice %arg6[%dma_wait3A_161, %dma_wait3A_162] : memref<128x768xf32, #tpu.memory_space<vmem>> -> memref<16x768xf32, #tpu.memory_space<vmem>>
    %dma_wait3A_164 = arith.constant 32 : i32
    %dma_wait3A_165 = tpu.memref_slice %arg5[%dma_wait3A_164] : memref<256xi32, #tpu.memory_space<vmem>> -> memref<16xi32, #tpu.memory_space<vmem>>
    %dma_wait3A_166 = arith.constant 0 : i32
    %dma_wait3A_167 = arith.constant 0 : i32
    %dma_wait3A_168 = tpu.memref_slice %arg3[%dma_wait3A_166, %dma_wait3A_167] : memref<32128x768xf32, #tpu.memory_space<hbm>> -> memref<32128x768xf32, #tpu.memory_space<hbm>>
    tpu.wait_indirect_dma semaphore(%arg9 : memref<!tpu.dma_semaphore, #tpu.memory_space<semaphore_mem>>) src(%dma_wait3A_168 : memref<32128x768xf32, #tpu.memory_space<hbm>>) dst(%dma_wait3A_163 : memref<16x768xf32, #tpu.memory_space<vmem>>)
    %dma_start3A_169 = arith.constant 16 : i32
    %dma_start3A_170 = arith.constant 0 : i32
    %dma_start3A_171 = tpu.memref_slice %arg6[%dma_start3A_169, %dma_start3A_170] : memref<128x768xf32, #tpu.memory_space<vmem>> -> memref<16x768xf32, #tpu.memory_space<vmem>>
    %dma_start3A_172 = arith.constant 144 : i32
    %dma_start3A_173 = tpu.memref_slice %arg5[%dma_start3A_172] : memref<256xi32, #tpu.memory_space<vmem>> -> memref<16xi32, #tpu.memory_space<vmem>>
    %dma_start3A_174 = arith.constant 0 : i32
    %dma_start3A_175 = arith.constant 0 : i32
    %dma_start3A_176 = tpu.memref_slice %arg3[%dma_start3A_174, %dma_start3A_175] : memref<32128x768xf32, #tpu.memory_space<hbm>> -> memref<32128x768xf32, #tpu.memory_space<hbm>>
    tpu.enqueue_indirect_dma source(%dma_start3A_176 : memref<32128x768xf32, #tpu.memory_space<hbm>>) target(%dma_start3A_171 : memref<16x768xf32, #tpu.memory_space<vmem>>) offsets(%dma_start3A_173 : memref<16xi32, #tpu.memory_space<vmem>>) semaphore(%arg8 : memref<!tpu.dma_semaphore, #tpu.memory_space<semaphore_mem>>)
    %dma_wait3A_177 = arith.constant 48 : i32
    %dma_wait3A_178 = arith.constant 0 : i32
    %dma_wait3A_179 = tpu.memref_slice %arg6[%dma_wait3A_177, %dma_wait3A_178] : memref<128x768xf32, #tpu.memory_space<vmem>> -> memref<16x768xf32, #tpu.memory_space<vmem>>
    %dma_wait3A_180 = arith.constant 48 : i32
    %dma_wait3A_181 = tpu.memref_slice %arg5[%dma_wait3A_180] : memref<256xi32, #tpu.memory_space<vmem>> -> memref<16xi32, #tpu.memory_space<vmem>>
    %dma_wait3A_182 = arith.constant 0 : i32
    %dma_wait3A_183 = arith.constant 0 : i32
    %dma_wait3A_184 = tpu.memref_slice %arg3[%dma_wait3A_182, %dma_wait3A_183] : memref<32128x768xf32, #tpu.memory_space<hbm>> -> memref<32128x768xf32, #tpu.memory_space<hbm>>
    tpu.wait_indirect_dma semaphore(%arg10 : memref<!tpu.dma_semaphore, #tpu.memory_space<semaphore_mem>>) src(%dma_wait3A_184 : memref<32128x768xf32, #tpu.memory_space<hbm>>) dst(%dma_wait3A_179 : memref<16x768xf32, #tpu.memory_space<vmem>>)
    %add3A_185 = arith.constant 32 : i32
    %add3A_186 = arith.addi %mul3A_2, %add3A_185 : i32
    %dma_start3A_187 = arith.constant 32 : i32
    %dma_start3A_188 = arith.constant 0 : i32
    %dma_start3A_189 = tpu.memref_slice %arg6[%dma_start3A_187, %dma_start3A_188] : memref<128x768xf32, #tpu.memory_space<vmem>> -> memref<32x768xf32, #tpu.memory_space<vmem>>
    %dma_start3A_190 = arith.constant 0 : i32
    %dma_start3A_191 = tpu.memref_slice %arg4[%add3A_186, %dma_start3A_190] : memref<8192x768xf32, #tpu.memory_space<hbm>> -> memref<32x768xf32, #tpu.memory_space<hbm>>
    %dma_start3A_192 = arith.constant 0 : i32
    %dma_start3A_193 = tpu.memref_slice %arg4[%add3A_186, %dma_start3A_192] : memref<8192x768xf32, #tpu.memory_space<hbm>> -> memref<32x768xf32, #tpu.memory_space<hbm>>
    %dma_start3A_194 = arith.constant 32 : i32
    %dma_start3A_195 = arith.constant 0 : i32
    %dma_start3A_196 = tpu.memref_slice %arg6[%dma_start3A_194, %dma_start3A_195] : memref<128x768xf32, #tpu.memory_space<vmem>> -> memref<32x768xf32, #tpu.memory_space<vmem>>
    tpu.enqueue_dma source(%dma_start3A_196 : memref<32x768xf32, #tpu.memory_space<vmem>>) target(%dma_start3A_193 : memref<32x768xf32, #tpu.memory_space<hbm>>) target_semaphore(%arg16 : memref<!tpu.dma_semaphore, #tpu.memory_space<semaphore_mem>>)
    %dma_wait3A_197 = arith.constant 32 : i32
    %dma_wait3A_198 = arith.constant 0 : i32
    %dma_wait3A_199 = tpu.memref_slice %arg6[%dma_wait3A_197, %dma_wait3A_198] : memref<128x768xf32, #tpu.memory_space<vmem>> -> memref<32x768xf32, #tpu.memory_space<vmem>>
    %dma_wait3A_200 = arith.constant 0 : i32
    %dma_wait3A_201 = tpu.memref_slice %arg4[%add3A_186, %dma_wait3A_200] : memref<8192x768xf32, #tpu.memory_space<hbm>> -> memref<32x768xf32, #tpu.memory_space<hbm>>
    %dma_wait3A_202 = arith.constant 0 : i32
    %dma_wait3A_203 = tpu.memref_slice %arg4[%add3A_186, %dma_wait3A_202] : memref<8192x768xf32, #tpu.memory_space<hbm>> -> memref<32x768xf32, #tpu.memory_space<hbm>>
    %dma_wait3A_204 = arith.constant 32 : i32
    %dma_wait3A_205 = arith.constant 0 : i32
    %dma_wait3A_206 = tpu.memref_slice %arg6[%dma_wait3A_204, %dma_wait3A_205] : memref<128x768xf32, #tpu.memory_space<vmem>> -> memref<32x768xf32, #tpu.memory_space<vmem>>
    tpu.wait_dma2 semaphore(%arg16 : memref<!tpu.dma_semaphore, #tpu.memory_space<semaphore_mem>>) src(%dma_wait3A_206 : memref<32x768xf32, #tpu.memory_space<vmem>>) dst(%dma_wait3A_203 : memref<32x768xf32, #tpu.memory_space<hbm>>)
    %dma_start3A_207 = arith.constant 32 : i32
    %dma_start3A_208 = arith.constant 0 : i32
    %dma_start3A_209 = tpu.memref_slice %arg6[%dma_start3A_207, %dma_start3A_208] : memref<128x768xf32, #tpu.memory_space<vmem>> -> memref<16x768xf32, #tpu.memory_space<vmem>>
    %dma_start3A_210 = arith.constant 160 : i32
    %dma_start3A_211 = tpu.memref_slice %arg5[%dma_start3A_210] : memref<256xi32, #tpu.memory_space<vmem>> -> memref<16xi32, #tpu.memory_space<vmem>>
    %dma_start3A_212 = arith.constant 0 : i32
    %dma_start3A_213 = arith.constant 0 : i32
    %dma_start3A_214 = tpu.memref_slice %arg3[%dma_start3A_212, %dma_start3A_213] : memref<32128x768xf32, #tpu.memory_space<hbm>> -> memref<32128x768xf32, #tpu.memory_space<hbm>>
    tpu.enqueue_indirect_dma source(%dma_start3A_214 : memref<32128x768xf32, #tpu.memory_space<hbm>>) target(%dma_start3A_209 : memref<16x768xf32, #tpu.memory_space<vmem>>) offsets(%dma_start3A_211 : memref<16xi32, #tpu.memory_space<vmem>>) semaphore(%arg9 : memref<!tpu.dma_semaphore, #tpu.memory_space<semaphore_mem>>)
    %dma_wait3A_215 = arith.constant 64 : i32
    %dma_wait3A_216 = arith.constant 0 : i32
    %dma_wait3A_217 = tpu.memref_slice %arg6[%dma_wait3A_215, %dma_wait3A_216] : memref<128x768xf32, #tpu.memory_space<vmem>> -> memref<16x768xf32, #tpu.memory_space<vmem>>
    %dma_wait3A_218 = arith.constant 64 : i32
    %dma_wait3A_219 = tpu.memref_slice %arg5[%dma_wait3A_218] : memref<256xi32, #tpu.memory_space<vmem>> -> memref<16xi32, #tpu.memory_space<vmem>>
    %dma_wait3A_220 = arith.constant 0 : i32
    %dma_wait3A_221 = arith.constant 0 : i32
    %dma_wait3A_222 = tpu.memref_slice %arg3[%dma_wait3A_220, %dma_wait3A_221] : memref<32128x768xf32, #tpu.memory_space<hbm>> -> memref<32128x768xf32, #tpu.memory_space<hbm>>
    tpu.wait_indirect_dma semaphore(%arg11 : memref<!tpu.dma_semaphore, #tpu.memory_space<semaphore_mem>>) src(%dma_wait3A_222 : memref<32128x768xf32, #tpu.memory_space<hbm>>) dst(%dma_wait3A_217 : memref<16x768xf32, #tpu.memory_space<vmem>>)
    %dma_start3A_223 = arith.constant 48 : i32
    %dma_start3A_224 = arith.constant 0 : i32
    %dma_start3A_225 = tpu.memref_slice %arg6[%dma_start3A_223, %dma_start3A_224] : memref<128x768xf32, #tpu.memory_space<vmem>> -> memref<16x768xf32, #tpu.memory_space<vmem>>
    %dma_start3A_226 = arith.constant 176 : i32
    %dma_start3A_227 = tpu.memref_slice %arg5[%dma_start3A_226] : memref<256xi32, #tpu.memory_space<vmem>> -> memref<16xi32, #tpu.memory_space<vmem>>
    %dma_start3A_228 = arith.constant 0 : i32
    %dma_start3A_229 = arith.constant 0 : i32
    %dma_start3A_230 = tpu.memref_slice %arg3[%dma_start3A_228, %dma_start3A_229] : memref<32128x768xf32, #tpu.memory_space<hbm>> -> memref<32128x768xf32, #tpu.memory_space<hbm>>
    tpu.enqueue_indirect_dma source(%dma_start3A_230 : memref<32128x768xf32, #tpu.memory_space<hbm>>) target(%dma_start3A_225 : memref<16x768xf32, #tpu.memory_space<vmem>>) offsets(%dma_start3A_227 : memref<16xi32, #tpu.memory_space<vmem>>) semaphore(%arg10 : memref<!tpu.dma_semaphore, #tpu.memory_space<semaphore_mem>>)
    %dma_wait3A_231 = arith.constant 80 : i32
    %dma_wait3A_232 = arith.constant 0 : i32
    %dma_wait3A_233 = tpu.memref_slice %arg6[%dma_wait3A_231, %dma_wait3A_232] : memref<128x768xf32, #tpu.memory_space<vmem>> -> memref<16x768xf32, #tpu.memory_space<vmem>>
    %dma_wait3A_234 = arith.constant 80 : i32
    %dma_wait3A_235 = tpu.memref_slice %arg5[%dma_wait3A_234] : memref<256xi32, #tpu.memory_space<vmem>> -> memref<16xi32, #tpu.memory_space<vmem>>
    %dma_wait3A_236 = arith.constant 0 : i32
    %dma_wait3A_237 = arith.constant 0 : i32
    %dma_wait3A_238 = tpu.memref_slice %arg3[%dma_wait3A_236, %dma_wait3A_237] : memref<32128x768xf32, #tpu.memory_space<hbm>> -> memref<32128x768xf32, #tpu.memory_space<hbm>>
    tpu.wait_indirect_dma semaphore(%arg12 : memref<!tpu.dma_semaphore, #tpu.memory_space<semaphore_mem>>) src(%dma_wait3A_238 : memref<32128x768xf32, #tpu.memory_space<hbm>>) dst(%dma_wait3A_233 : memref<16x768xf32, #tpu.memory_space<vmem>>)
    %add3A_239 = arith.constant 64 : i32
    %add3A_240 = arith.addi %mul3A_2, %add3A_239 : i32
    %dma_start3A_241 = arith.constant 64 : i32
    %dma_start3A_242 = arith.constant 0 : i32
    %dma_start3A_243 = tpu.memref_slice %arg6[%dma_start3A_241, %dma_start3A_242] : memref<128x768xf32, #tpu.memory_space<vmem>> -> memref<32x768xf32, #tpu.memory_space<vmem>>
    %dma_start3A_244 = arith.constant 0 : i32
    %dma_start3A_245 = tpu.memref_slice %arg4[%add3A_240, %dma_start3A_244] : memref<8192x768xf32, #tpu.memory_space<hbm>> -> memref<32x768xf32, #tpu.memory_space<hbm>>
    %dma_start3A_246 = arith.constant 0 : i32
    %dma_start3A_247 = tpu.memref_slice %arg4[%add3A_240, %dma_start3A_246] : memref<8192x768xf32, #tpu.memory_space<hbm>> -> memref<32x768xf32, #tpu.memory_space<hbm>>
    %dma_start3A_248 = arith.constant 64 : i32
    %dma_start3A_249 = arith.constant 0 : i32
    %dma_start3A_250 = tpu.memref_slice %arg6[%dma_start3A_248, %dma_start3A_249] : memref<128x768xf32, #tpu.memory_space<vmem>> -> memref<32x768xf32, #tpu.memory_space<vmem>>
    tpu.enqueue_dma source(%dma_start3A_250 : memref<32x768xf32, #tpu.memory_space<vmem>>) target(%dma_start3A_247 : memref<32x768xf32, #tpu.memory_space<hbm>>) target_semaphore(%arg17 : memref<!tpu.dma_semaphore, #tpu.memory_space<semaphore_mem>>)
    %dma_wait3A_251 = arith.constant 64 : i32
    %dma_wait3A_252 = arith.constant 0 : i32
    %dma_wait3A_253 = tpu.memref_slice %arg6[%dma_wait3A_251, %dma_wait3A_252] : memref<128x768xf32, #tpu.memory_space<vmem>> -> memref<32x768xf32, #tpu.memory_space<vmem>>
    %dma_wait3A_254 = arith.constant 0 : i32
    %dma_wait3A_255 = tpu.memref_slice %arg4[%add3A_240, %dma_wait3A_254] : memref<8192x768xf32, #tpu.memory_space<hbm>> -> memref<32x768xf32, #tpu.memory_space<hbm>>
    %dma_wait3A_256 = arith.constant 0 : i32
    %dma_wait3A_257 = tpu.memref_slice %arg4[%add3A_240, %dma_wait3A_256] : memref<8192x768xf32, #tpu.memory_space<hbm>> -> memref<32x768xf32, #tpu.memory_space<hbm>>
    %dma_wait3A_258 = arith.constant 64 : i32
    %dma_wait3A_259 = arith.constant 0 : i32
    %dma_wait3A_260 = tpu.memref_slice %arg6[%dma_wait3A_258, %dma_wait3A_259] : memref<128x768xf32, #tpu.memory_space<vmem>> -> memref<32x768xf32, #tpu.memory_space<vmem>>
    tpu.wait_dma2 semaphore(%arg17 : memref<!tpu.dma_semaphore, #tpu.memory_space<semaphore_mem>>) src(%dma_wait3A_260 : memref<32x768xf32, #tpu.memory_space<vmem>>) dst(%dma_wait3A_257 : memref<32x768xf32, #tpu.memory_space<hbm>>)
    %dma_start3A_261 = arith.constant 64 : i32
    %dma_start3A_262 = arith.constant 0 : i32
    %dma_start3A_263 = tpu.memref_slice %arg6[%dma_start3A_261, %dma_start3A_262] : memref<128x768xf32, #tpu.memory_space<vmem>> -> memref<16x768xf32, #tpu.memory_space<vmem>>
    %dma_start3A_264 = arith.constant 192 : i32
    %dma_start3A_265 = tpu.memref_slice %arg5[%dma_start3A_264] : memref<256xi32, #tpu.memory_space<vmem>> -> memref<16xi32, #tpu.memory_space<vmem>>
    %dma_start3A_266 = arith.constant 0 : i32
    %dma_start3A_267 = arith.constant 0 : i32
    %dma_start3A_268 = tpu.memref_slice %arg3[%dma_start3A_266, %dma_start3A_267] : memref<32128x768xf32, #tpu.memory_space<hbm>> -> memref<32128x768xf32, #tpu.memory_space<hbm>>
    tpu.enqueue_indirect_dma source(%dma_start3A_268 : memref<32128x768xf32, #tpu.memory_space<hbm>>) target(%dma_start3A_263 : memref<16x768xf32, #tpu.memory_space<vmem>>) offsets(%dma_start3A_265 : memref<16xi32, #tpu.memory_space<vmem>>) semaphore(%arg11 : memref<!tpu.dma_semaphore, #tpu.memory_space<semaphore_mem>>)
    %dma_wait3A_269 = arith.constant 96 : i32
    %dma_wait3A_270 = arith.constant 0 : i32
    %dma_wait3A_271 = tpu.memref_slice %arg6[%dma_wait3A_269, %dma_wait3A_270] : memref<128x768xf32, #tpu.memory_space<vmem>> -> memref<16x768xf32, #tpu.memory_space<vmem>>
    %dma_wait3A_272 = arith.constant 96 : i32
    %dma_wait3A_273 = tpu.memref_slice %arg5[%dma_wait3A_272] : memref<256xi32, #tpu.memory_space<vmem>> -> memref<16xi32, #tpu.memory_space<vmem>>
    %dma_wait3A_274 = arith.constant 0 : i32
    %dma_wait3A_275 = arith.constant 0 : i32
    %dma_wait3A_276 = tpu.memref_slice %arg3[%dma_wait3A_274, %dma_wait3A_275] : memref<32128x768xf32, #tpu.memory_space<hbm>> -> memref<32128x768xf32, #tpu.memory_space<hbm>>
    tpu.wait_indirect_dma semaphore(%arg13 : memref<!tpu.dma_semaphore, #tpu.memory_space<semaphore_mem>>) src(%dma_wait3A_276 : memref<32128x768xf32, #tpu.memory_space<hbm>>) dst(%dma_wait3A_271 : memref<16x768xf32, #tpu.memory_space<vmem>>)
    %dma_start3A_277 = arith.constant 80 : i32
    %dma_start3A_278 = arith.constant 0 : i32
    %dma_start3A_279 = tpu.memref_slice %arg6[%dma_start3A_277, %dma_start3A_278] : memref<128x768xf32, #tpu.memory_space<vmem>> -> memref<16x768xf32, #tpu.memory_space<vmem>>
    %dma_start3A_280 = arith.constant 208 : i32
    %dma_start3A_281 = tpu.memref_slice %arg5[%dma_start3A_280] : memref<256xi32, #tpu.memory_space<vmem>> -> memref<16xi32, #tpu.memory_space<vmem>>
    %dma_start3A_282 = arith.constant 0 : i32
    %dma_start3A_283 = arith.constant 0 : i32
    %dma_start3A_284 = tpu.memref_slice %arg3[%dma_start3A_282, %dma_start3A_283] : memref<32128x768xf32, #tpu.memory_space<hbm>> -> memref<32128x768xf32, #tpu.memory_space<hbm>>
    tpu.enqueue_indirect_dma source(%dma_start3A_284 : memref<32128x768xf32, #tpu.memory_space<hbm>>) target(%dma_start3A_279 : memref<16x768xf32, #tpu.memory_space<vmem>>) offsets(%dma_start3A_281 : memref<16xi32, #tpu.memory_space<vmem>>) semaphore(%arg12 : memref<!tpu.dma_semaphore, #tpu.memory_space<semaphore_mem>>)
    %dma_wait3A_285 = arith.constant 112 : i32
    %dma_wait3A_286 = arith.constant 0 : i32
    %dma_wait3A_287 = tpu.memref_slice %arg6[%dma_wait3A_285, %dma_wait3A_286] : memref<128x768xf32, #tpu.memory_space<vmem>> -> memref<16x768xf32, #tpu.memory_space<vmem>>
    %dma_wait3A_288 = arith.constant 112 : i32
    %dma_wait3A_289 = tpu.memref_slice %arg5[%dma_wait3A_288] : memref<256xi32, #tpu.memory_space<vmem>> -> memref<16xi32, #tpu.memory_space<vmem>>
    %dma_wait3A_290 = arith.constant 0 : i32
    %dma_wait3A_291 = arith.constant 0 : i32
    %dma_wait3A_292 = tpu.memref_slice %arg3[%dma_wait3A_290, %dma_wait3A_291] : memref<32128x768xf32, #tpu.memory_space<hbm>> -> memref<32128x768xf32, #tpu.memory_space<hbm>>
    tpu.wait_indirect_dma semaphore(%arg14 : memref<!tpu.dma_semaphore, #tpu.memory_space<semaphore_mem>>) src(%dma_wait3A_292 : memref<32128x768xf32, #tpu.memory_space<hbm>>) dst(%dma_wait3A_287 : memref<16x768xf32, #tpu.memory_space<vmem>>)
    %add3A_293 = arith.constant 96 : i32
    %add3A_294 = arith.addi %mul3A_2, %add3A_293 : i32
    %dma_start3A_295 = arith.constant 96 : i32
    %dma_start3A_296 = arith.constant 0 : i32
    %dma_start3A_297 = tpu.memref_slice %arg6[%dma_start3A_295, %dma_start3A_296] : memref<128x768xf32, #tpu.memory_space<vmem>> -> memref<32x768xf32, #tpu.memory_space<vmem>>
    %dma_start3A_298 = arith.constant 0 : i32
    %dma_start3A_299 = tpu.memref_slice %arg4[%add3A_294, %dma_start3A_298] : memref<8192x768xf32, #tpu.memory_space<hbm>> -> memref<32x768xf32, #tpu.memory_space<hbm>>
    %dma_start3A_300 = arith.constant 0 : i32
    %dma_start3A_301 = tpu.memref_slice %arg4[%add3A_294, %dma_start3A_300] : memref<8192x768xf32, #tpu.memory_space<hbm>> -> memref<32x768xf32, #tpu.memory_space<hbm>>
    %dma_start3A_302 = arith.constant 96 : i32
    %dma_start3A_303 = arith.constant 0 : i32
    %dma_start3A_304 = tpu.memref_slice %arg6[%dma_start3A_302, %dma_start3A_303] : memref<128x768xf32, #tpu.memory_space<vmem>> -> memref<32x768xf32, #tpu.memory_space<vmem>>
    tpu.enqueue_dma source(%dma_start3A_304 : memref<32x768xf32, #tpu.memory_space<vmem>>) target(%dma_start3A_301 : memref<32x768xf32, #tpu.memory_space<hbm>>) target_semaphore(%arg18 : memref<!tpu.dma_semaphore, #tpu.memory_space<semaphore_mem>>)
    %dma_wait3A_305 = arith.constant 96 : i32
    %dma_wait3A_306 = arith.constant 0 : i32
    %dma_wait3A_307 = tpu.memref_slice %arg6[%dma_wait3A_305, %dma_wait3A_306] : memref<128x768xf32, #tpu.memory_space<vmem>> -> memref<32x768xf32, #tpu.memory_space<vmem>>
    %dma_wait3A_308 = arith.constant 0 : i32
    %dma_wait3A_309 = tpu.memref_slice %arg4[%add3A_294, %dma_wait3A_308] : memref<8192x768xf32, #tpu.memory_space<hbm>> -> memref<32x768xf32, #tpu.memory_space<hbm>>
    %dma_wait3A_310 = arith.constant 0 : i32
    %dma_wait3A_311 = tpu.memref_slice %arg4[%add3A_294, %dma_wait3A_310] : memref<8192x768xf32, #tpu.memory_space<hbm>> -> memref<32x768xf32, #tpu.memory_space<hbm>>
    %dma_wait3A_312 = arith.constant 96 : i32
    %dma_wait3A_313 = arith.constant 0 : i32
    %dma_wait3A_314 = tpu.memref_slice %arg6[%dma_wait3A_312, %dma_wait3A_313] : memref<128x768xf32, #tpu.memory_space<vmem>> -> memref<32x768xf32, #tpu.memory_space<vmem>>
    tpu.wait_dma2 semaphore(%arg18 : memref<!tpu.dma_semaphore, #tpu.memory_space<semaphore_mem>>) src(%dma_wait3A_314 : memref<32x768xf32, #tpu.memory_space<vmem>>) dst(%dma_wait3A_311 : memref<32x768xf32, #tpu.memory_space<hbm>>)
    %dma_start3A_315 = arith.constant 96 : i32
    %dma_start3A_316 = arith.constant 0 : i32
    %dma_start3A_317 = tpu.memref_slice %arg6[%dma_start3A_315, %dma_start3A_316] : memref<128x768xf32, #tpu.memory_space<vmem>> -> memref<16x768xf32, #tpu.memory_space<vmem>>
    %dma_start3A_318 = arith.constant 224 : i32
    %dma_start3A_319 = tpu.memref_slice %arg5[%dma_start3A_318] : memref<256xi32, #tpu.memory_space<vmem>> -> memref<16xi32, #tpu.memory_space<vmem>>
    %dma_start3A_320 = arith.constant 0 : i32
    %dma_start3A_321 = arith.constant 0 : i32
    %dma_start3A_322 = tpu.memref_slice %arg3[%dma_start3A_320, %dma_start3A_321] : memref<32128x768xf32, #tpu.memory_space<hbm>> -> memref<32128x768xf32, #tpu.memory_space<hbm>>
    tpu.enqueue_indirect_dma source(%dma_start3A_322 : memref<32128x768xf32, #tpu.memory_space<hbm>>) target(%dma_start3A_317 : memref<16x768xf32, #tpu.memory_space<vmem>>) offsets(%dma_start3A_319 : memref<16xi32, #tpu.memory_space<vmem>>) semaphore(%arg13 : memref<!tpu.dma_semaphore, #tpu.memory_space<semaphore_mem>>)
    %dma_wait3A_323 = arith.constant 0 : i32
    %dma_wait3A_324 = arith.constant 0 : i32
    %dma_wait3A_325 = tpu.memref_slice %arg6[%dma_wait3A_323, %dma_wait3A_324] : memref<128x768xf32, #tpu.memory_space<vmem>> -> memref<16x768xf32, #tpu.memory_space<vmem>>
    %dma_wait3A_326 = arith.constant 128 : i32
    %dma_wait3A_327 = tpu.memref_slice %arg5[%dma_wait3A_326] : memref<256xi32, #tpu.memory_space<vmem>> -> memref<16xi32, #tpu.memory_space<vmem>>
    %dma_wait3A_328 = arith.constant 0 : i32
    %dma_wait3A_329 = arith.constant 0 : i32
    %dma_wait3A_330 = tpu.memref_slice %arg3[%dma_wait3A_328, %dma_wait3A_329] : memref<32128x768xf32, #tpu.memory_space<hbm>> -> memref<32128x768xf32, #tpu.memory_space<hbm>>
    tpu.wait_indirect_dma semaphore(%arg7 : memref<!tpu.dma_semaphore, #tpu.memory_space<semaphore_mem>>) src(%dma_wait3A_330 : memref<32128x768xf32, #tpu.memory_space<hbm>>) dst(%dma_wait3A_325 : memref<16x768xf32, #tpu.memory_space<vmem>>)
    %dma_start3A_331 = arith.constant 112 : i32
    %dma_start3A_332 = arith.constant 0 : i32
    %dma_start3A_333 = tpu.memref_slice %arg6[%dma_start3A_331, %dma_start3A_332] : memref<128x768xf32, #tpu.memory_space<vmem>> -> memref<16x768xf32, #tpu.memory_space<vmem>>
    %dma_start3A_334 = arith.constant 240 : i32
    %dma_start3A_335 = tpu.memref_slice %arg5[%dma_start3A_334] : memref<256xi32, #tpu.memory_space<vmem>> -> memref<16xi32, #tpu.memory_space<vmem>>
    %dma_start3A_336 = arith.constant 0 : i32
    %dma_start3A_337 = arith.constant 0 : i32
    %dma_start3A_338 = tpu.memref_slice %arg3[%dma_start3A_336, %dma_start3A_337] : memref<32128x768xf32, #tpu.memory_space<hbm>> -> memref<32128x768xf32, #tpu.memory_space<hbm>>
    tpu.enqueue_indirect_dma source(%dma_start3A_338 : memref<32128x768xf32, #tpu.memory_space<hbm>>) target(%dma_start3A_333 : memref<16x768xf32, #tpu.memory_space<vmem>>) offsets(%dma_start3A_335 : memref<16xi32, #tpu.memory_space<vmem>>) semaphore(%arg14 : memref<!tpu.dma_semaphore, #tpu.memory_space<semaphore_mem>>)
    %dma_wait3A_339 = arith.constant 16 : i32
    %dma_wait3A_340 = arith.constant 0 : i32
    %dma_wait3A_341 = tpu.memref_slice %arg6[%dma_wait3A_339, %dma_wait3A_340] : memref<128x768xf32, #tpu.memory_space<vmem>> -> memref<16x768xf32, #tpu.memory_space<vmem>>
    %dma_wait3A_342 = arith.constant 144 : i32
    %dma_wait3A_343 = tpu.memref_slice %arg5[%dma_wait3A_342] : memref<256xi32, #tpu.memory_space<vmem>> -> memref<16xi32, #tpu.memory_space<vmem>>
    %dma_wait3A_344 = arith.constant 0 : i32
    %dma_wait3A_345 = arith.constant 0 : i32
    %dma_wait3A_346 = tpu.memref_slice %arg3[%dma_wait3A_344, %dma_wait3A_345] : memref<32128x768xf32, #tpu.memory_space<hbm>> -> memref<32128x768xf32, #tpu.memory_space<hbm>>
    tpu.wait_indirect_dma semaphore(%arg8 : memref<!tpu.dma_semaphore, #tpu.memory_space<semaphore_mem>>) src(%dma_wait3A_346 : memref<32128x768xf32, #tpu.memory_space<hbm>>) dst(%dma_wait3A_341 : memref<16x768xf32, #tpu.memory_space<vmem>>)
    %add3A_347 = arith.constant 128 : i32
    %add3A_348 = arith.addi %mul3A_2, %add3A_347 : i32
    %dma_start3A_349 = arith.constant 0 : i32
    %dma_start3A_350 = arith.constant 0 : i32
    %dma_start3A_351 = tpu.memref_slice %arg6[%dma_start3A_349, %dma_start3A_350] : memref<128x768xf32, #tpu.memory_space<vmem>> -> memref<32x768xf32, #tpu.memory_space<vmem>>
    %dma_start3A_352 = arith.constant 0 : i32
    %dma_start3A_353 = tpu.memref_slice %arg4[%add3A_348, %dma_start3A_352] : memref<8192x768xf32, #tpu.memory_space<hbm>> -> memref<32x768xf32, #tpu.memory_space<hbm>>
    %dma_start3A_354 = arith.constant 0 : i32
    %dma_start3A_355 = tpu.memref_slice %arg4[%add3A_348, %dma_start3A_354] : memref<8192x768xf32, #tpu.memory_space<hbm>> -> memref<32x768xf32, #tpu.memory_space<hbm>>
    %dma_start3A_356 = arith.constant 0 : i32
    %dma_start3A_357 = arith.constant 0 : i32
    %dma_start3A_358 = tpu.memref_slice %arg6[%dma_start3A_356, %dma_start3A_357] : memref<128x768xf32, #tpu.memory_space<vmem>> -> memref<32x768xf32, #tpu.memory_space<vmem>>
    tpu.enqueue_dma source(%dma_start3A_358 : memref<32x768xf32, #tpu.memory_space<vmem>>) target(%dma_start3A_355 : memref<32x768xf32, #tpu.memory_space<hbm>>) target_semaphore(%arg15 : memref<!tpu.dma_semaphore, #tpu.memory_space<semaphore_mem>>)
    %dma_wait3A_359 = arith.constant 32 : i32
    %dma_wait3A_360 = arith.constant 0 : i32
    %dma_wait3A_361 = tpu.memref_slice %arg6[%dma_wait3A_359, %dma_wait3A_360] : memref<128x768xf32, #tpu.memory_space<vmem>> -> memref<16x768xf32, #tpu.memory_space<vmem>>
    %dma_wait3A_362 = arith.constant 160 : i32
    %dma_wait3A_363 = tpu.memref_slice %arg5[%dma_wait3A_362] : memref<256xi32, #tpu.memory_space<vmem>> -> memref<16xi32, #tpu.memory_space<vmem>>
    %dma_wait3A_364 = arith.constant 0 : i32
    %dma_wait3A_365 = arith.constant 0 : i32
    %dma_wait3A_366 = tpu.memref_slice %arg3[%dma_wait3A_364, %dma_wait3A_365] : memref<32128x768xf32, #tpu.memory_space<hbm>> -> memref<32128x768xf32, #tpu.memory_space<hbm>>
    tpu.wait_indirect_dma semaphore(%arg9 : memref<!tpu.dma_semaphore, #tpu.memory_space<semaphore_mem>>) src(%dma_wait3A_366 : memref<32128x768xf32, #tpu.memory_space<hbm>>) dst(%dma_wait3A_361 : memref<16x768xf32, #tpu.memory_space<vmem>>)
    %dma_wait3A_367 = arith.constant 48 : i32
    %dma_wait3A_368 = arith.constant 0 : i32
    %dma_wait3A_369 = tpu.memref_slice %arg6[%dma_wait3A_367, %dma_wait3A_368] : memref<128x768xf32, #tpu.memory_space<vmem>> -> memref<16x768xf32, #tpu.memory_space<vmem>>
    %dma_wait3A_370 = arith.constant 176 : i32
    %dma_wait3A_371 = tpu.memref_slice %arg5[%dma_wait3A_370] : memref<256xi32, #tpu.memory_space<vmem>> -> memref<16xi32, #tpu.memory_space<vmem>>
    %dma_wait3A_372 = arith.constant 0 : i32
    %dma_wait3A_373 = arith.constant 0 : i32
    %dma_wait3A_374 = tpu.memref_slice %arg3[%dma_wait3A_372, %dma_wait3A_373] : memref<32128x768xf32, #tpu.memory_space<hbm>> -> memref<32128x768xf32, #tpu.memory_space<hbm>>
    tpu.wait_indirect_dma semaphore(%arg10 : memref<!tpu.dma_semaphore, #tpu.memory_space<semaphore_mem>>) src(%dma_wait3A_374 : memref<32128x768xf32, #tpu.memory_space<hbm>>) dst(%dma_wait3A_369 : memref<16x768xf32, #tpu.memory_space<vmem>>)
    %add3A_375 = arith.constant 160 : i32
    %add3A_376 = arith.addi %mul3A_2, %add3A_375 : i32
    %dma_start3A_377 = arith.constant 32 : i32
    %dma_start3A_378 = arith.constant 0 : i32
    %dma_start3A_379 = tpu.memref_slice %arg6[%dma_start3A_377, %dma_start3A_378] : memref<128x768xf32, #tpu.memory_space<vmem>> -> memref<32x768xf32, #tpu.memory_space<vmem>>
    %dma_start3A_380 = arith.constant 0 : i32
    %dma_start3A_381 = tpu.memref_slice %arg4[%add3A_376, %dma_start3A_380] : memref<8192x768xf32, #tpu.memory_space<hbm>> -> memref<32x768xf32, #tpu.memory_space<hbm>>
    %dma_start3A_382 = arith.constant 0 : i32
    %dma_start3A_383 = tpu.memref_slice %arg4[%add3A_376, %dma_start3A_382] : memref<8192x768xf32, #tpu.memory_space<hbm>> -> memref<32x768xf32, #tpu.memory_space<hbm>>
    %dma_start3A_384 = arith.constant 32 : i32
    %dma_start3A_385 = arith.constant 0 : i32
    %dma_start3A_386 = tpu.memref_slice %arg6[%dma_start3A_384, %dma_start3A_385] : memref<128x768xf32, #tpu.memory_space<vmem>> -> memref<32x768xf32, #tpu.memory_space<vmem>>
    tpu.enqueue_dma source(%dma_start3A_386 : memref<32x768xf32, #tpu.memory_space<vmem>>) target(%dma_start3A_383 : memref<32x768xf32, #tpu.memory_space<hbm>>) target_semaphore(%arg16 : memref<!tpu.dma_semaphore, #tpu.memory_space<semaphore_mem>>)
    %dma_wait3A_387 = arith.constant 64 : i32
    %dma_wait3A_388 = arith.constant 0 : i32
    %dma_wait3A_389 = tpu.memref_slice %arg6[%dma_wait3A_387, %dma_wait3A_388] : memref<128x768xf32, #tpu.memory_space<vmem>> -> memref<16x768xf32, #tpu.memory_space<vmem>>
    %dma_wait3A_390 = arith.constant 192 : i32
    %dma_wait3A_391 = tpu.memref_slice %arg5[%dma_wait3A_390] : memref<256xi32, #tpu.memory_space<vmem>> -> memref<16xi32, #tpu.memory_space<vmem>>
    %dma_wait3A_392 = arith.constant 0 : i32
    %dma_wait3A_393 = arith.constant 0 : i32
    %dma_wait3A_394 = tpu.memref_slice %arg3[%dma_wait3A_392, %dma_wait3A_393] : memref<32128x768xf32, #tpu.memory_space<hbm>> -> memref<32128x768xf32, #tpu.memory_space<hbm>>
    tpu.wait_indirect_dma semaphore(%arg11 : memref<!tpu.dma_semaphore, #tpu.memory_space<semaphore_mem>>) src(%dma_wait3A_394 : memref<32128x768xf32, #tpu.memory_space<hbm>>) dst(%dma_wait3A_389 : memref<16x768xf32, #tpu.memory_space<vmem>>)
    %dma_wait3A_395 = arith.constant 80 : i32
    %dma_wait3A_396 = arith.constant 0 : i32
    %dma_wait3A_397 = tpu.memref_slice %arg6[%dma_wait3A_395, %dma_wait3A_396] : memref<128x768xf32, #tpu.memory_space<vmem>> -> memref<16x768xf32, #tpu.memory_space<vmem>>
    %dma_wait3A_398 = arith.constant 208 : i32
    %dma_wait3A_399 = tpu.memref_slice %arg5[%dma_wait3A_398] : memref<256xi32, #tpu.memory_space<vmem>> -> memref<16xi32, #tpu.memory_space<vmem>>
    %dma_wait3A_400 = arith.constant 0 : i32
    %dma_wait3A_401 = arith.constant 0 : i32
    %dma_wait3A_402 = tpu.memref_slice %arg3[%dma_wait3A_400, %dma_wait3A_401] : memref<32128x768xf32, #tpu.memory_space<hbm>> -> memref<32128x768xf32, #tpu.memory_space<hbm>>
    tpu.wait_indirect_dma semaphore(%arg12 : memref<!tpu.dma_semaphore, #tpu.memory_space<semaphore_mem>>) src(%dma_wait3A_402 : memref<32128x768xf32, #tpu.memory_space<hbm>>) dst(%dma_wait3A_397 : memref<16x768xf32, #tpu.memory_space<vmem>>)
    %add3A_403 = arith.constant 192 : i32
    %add3A_404 = arith.addi %mul3A_2, %add3A_403 : i32
    %dma_start3A_405 = arith.constant 64 : i32
    %dma_start3A_406 = arith.constant 0 : i32
    %dma_start3A_407 = tpu.memref_slice %arg6[%dma_start3A_405, %dma_start3A_406] : memref<128x768xf32, #tpu.memory_space<vmem>> -> memref<32x768xf32, #tpu.memory_space<vmem>>
    %dma_start3A_408 = arith.constant 0 : i32
    %dma_start3A_409 = tpu.memref_slice %arg4[%add3A_404, %dma_start3A_408] : memref<8192x768xf32, #tpu.memory_space<hbm>> -> memref<32x768xf32, #tpu.memory_space<hbm>>
    %dma_start3A_410 = arith.constant 0 : i32
    %dma_start3A_411 = tpu.memref_slice %arg4[%add3A_404, %dma_start3A_410] : memref<8192x768xf32, #tpu.memory_space<hbm>> -> memref<32x768xf32, #tpu.memory_space<hbm>>
    %dma_start3A_412 = arith.constant 64 : i32
    %dma_start3A_413 = arith.constant 0 : i32
    %dma_start3A_414 = tpu.memref_slice %arg6[%dma_start3A_412, %dma_start3A_413] : memref<128x768xf32, #tpu.memory_space<vmem>> -> memref<32x768xf32, #tpu.memory_space<vmem>>
    tpu.enqueue_dma source(%dma_start3A_414 : memref<32x768xf32, #tpu.memory_space<vmem>>) target(%dma_start3A_411 : memref<32x768xf32, #tpu.memory_space<hbm>>) target_semaphore(%arg17 : memref<!tpu.dma_semaphore, #tpu.memory_space<semaphore_mem>>)
    %dma_wait3A_415 = arith.constant 96 : i32
    %dma_wait3A_416 = arith.constant 0 : i32
    %dma_wait3A_417 = tpu.memref_slice %arg6[%dma_wait3A_415, %dma_wait3A_416] : memref<128x768xf32, #tpu.memory_space<vmem>> -> memref<16x768xf32, #tpu.memory_space<vmem>>
    %dma_wait3A_418 = arith.constant 224 : i32
    %dma_wait3A_419 = tpu.memref_slice %arg5[%dma_wait3A_418] : memref<256xi32, #tpu.memory_space<vmem>> -> memref<16xi32, #tpu.memory_space<vmem>>
    %dma_wait3A_420 = arith.constant 0 : i32
    %dma_wait3A_421 = arith.constant 0 : i32
    %dma_wait3A_422 = tpu.memref_slice %arg3[%dma_wait3A_420, %dma_wait3A_421] : memref<32128x768xf32, #tpu.memory_space<hbm>> -> memref<32128x768xf32, #tpu.memory_space<hbm>>
    tpu.wait_indirect_dma semaphore(%arg13 : memref<!tpu.dma_semaphore, #tpu.memory_space<semaphore_mem>>) src(%dma_wait3A_422 : memref<32128x768xf32, #tpu.memory_space<hbm>>) dst(%dma_wait3A_417 : memref<16x768xf32, #tpu.memory_space<vmem>>)
    %dma_wait3A_423 = arith.constant 112 : i32
    %dma_wait3A_424 = arith.constant 0 : i32
    %dma_wait3A_425 = tpu.memref_slice %arg6[%dma_wait3A_423, %dma_wait3A_424] : memref<128x768xf32, #tpu.memory_space<vmem>> -> memref<16x768xf32, #tpu.memory_space<vmem>>
    %dma_wait3A_426 = arith.constant 240 : i32
    %dma_wait3A_427 = tpu.memref_slice %arg5[%dma_wait3A_426] : memref<256xi32, #tpu.memory_space<vmem>> -> memref<16xi32, #tpu.memory_space<vmem>>
    %dma_wait3A_428 = arith.constant 0 : i32
    %dma_wait3A_429 = arith.constant 0 : i32
    %dma_wait3A_430 = tpu.memref_slice %arg3[%dma_wait3A_428, %dma_wait3A_429] : memref<32128x768xf32, #tpu.memory_space<hbm>> -> memref<32128x768xf32, #tpu.memory_space<hbm>>
    tpu.wait_indirect_dma semaphore(%arg14 : memref<!tpu.dma_semaphore, #tpu.memory_space<semaphore_mem>>) src(%dma_wait3A_430 : memref<32128x768xf32, #tpu.memory_space<hbm>>) dst(%dma_wait3A_425 : memref<16x768xf32, #tpu.memory_space<vmem>>)
    %add3A_431 = arith.constant 224 : i32
    %add3A_432 = arith.addi %mul3A_2, %add3A_431 : i32
    %dma_start3A_433 = arith.constant 96 : i32
    %dma_start3A_434 = arith.constant 0 : i32
    %dma_start3A_435 = tpu.memref_slice %arg6[%dma_start3A_433, %dma_start3A_434] : memref<128x768xf32, #tpu.memory_space<vmem>> -> memref<32x768xf32, #tpu.memory_space<vmem>>
    %dma_start3A_436 = arith.constant 0 : i32
    %dma_start3A_437 = tpu.memref_slice %arg4[%add3A_432, %dma_start3A_436] : memref<8192x768xf32, #tpu.memory_space<hbm>> -> memref<32x768xf32, #tpu.memory_space<hbm>>
    %dma_start3A_438 = arith.constant 0 : i32
    %dma_start3A_439 = tpu.memref_slice %arg4[%add3A_432, %dma_start3A_438] : memref<8192x768xf32, #tpu.memory_space<hbm>> -> memref<32x768xf32, #tpu.memory_space<hbm>>
    %dma_start3A_440 = arith.constant 96 : i32
    %dma_start3A_441 = arith.constant 0 : i32
    %dma_start3A_442 = tpu.memref_slice %arg6[%dma_start3A_440, %dma_start3A_441] : memref<128x768xf32, #tpu.memory_space<vmem>> -> memref<32x768xf32, #tpu.memory_space<vmem>>
    tpu.enqueue_dma source(%dma_start3A_442 : memref<32x768xf32, #tpu.memory_space<vmem>>) target(%dma_start3A_439 : memref<32x768xf32, #tpu.memory_space<hbm>>) target_semaphore(%arg18 : memref<!tpu.dma_semaphore, #tpu.memory_space<semaphore_mem>>)
    %dma_wait3A_443 = arith.constant 0 : i32
    %dma_wait3A_444 = arith.constant 0 : i32
    %dma_wait3A_445 = tpu.memref_slice %arg6[%dma_wait3A_443, %dma_wait3A_444] : memref<128x768xf32, #tpu.memory_space<vmem>> -> memref<32x768xf32, #tpu.memory_space<vmem>>
    %dma_wait3A_446 = arith.constant 0 : i32
    %dma_wait3A_447 = tpu.memref_slice %arg4[%add3A_348, %dma_wait3A_446] : memref<8192x768xf32, #tpu.memory_space<hbm>> -> memref<32x768xf32, #tpu.memory_space<hbm>>
    %dma_wait3A_448 = arith.constant 0 : i32
    %dma_wait3A_449 = tpu.memref_slice %arg4[%add3A_348, %dma_wait3A_448] : memref<8192x768xf32, #tpu.memory_space<hbm>> -> memref<32x768xf32, #tpu.memory_space<hbm>>
    %dma_wait3A_450 = arith.constant 0 : i32
    %dma_wait3A_451 = arith.constant 0 : i32
    %dma_wait3A_452 = tpu.memref_slice %arg6[%dma_wait3A_450, %dma_wait3A_451] : memref<128x768xf32, #tpu.memory_space<vmem>> -> memref<32x768xf32, #tpu.memory_space<vmem>>
    tpu.wait_dma2 semaphore(%arg15 : memref<!tpu.dma_semaphore, #tpu.memory_space<semaphore_mem>>) src(%dma_wait3A_452 : memref<32x768xf32, #tpu.memory_space<vmem>>) dst(%dma_wait3A_449 : memref<32x768xf32, #tpu.memory_space<hbm>>)
    %dma_wait3A_453 = arith.constant 32 : i32
    %dma_wait3A_454 = arith.constant 0 : i32
    %dma_wait3A_455 = tpu.memref_slice %arg6[%dma_wait3A_453, %dma_wait3A_454] : memref<128x768xf32, #tpu.memory_space<vmem>> -> memref<32x768xf32, #tpu.memory_space<vmem>>
    %dma_wait3A_456 = arith.constant 0 : i32
    %dma_wait3A_457 = tpu.memref_slice %arg4[%add3A_376, %dma_wait3A_456] : memref<8192x768xf32, #tpu.memory_space<hbm>> -> memref<32x768xf32, #tpu.memory_space<hbm>>
    %dma_wait3A_458 = arith.constant 0 : i32
    %dma_wait3A_459 = tpu.memref_slice %arg4[%add3A_376, %dma_wait3A_458] : memref<8192x768xf32, #tpu.memory_space<hbm>> -> memref<32x768xf32, #tpu.memory_space<hbm>>
    %dma_wait3A_460 = arith.constant 32 : i32
    %dma_wait3A_461 = arith.constant 0 : i32
    %dma_wait3A_462 = tpu.memref_slice %arg6[%dma_wait3A_460, %dma_wait3A_461] : memref<128x768xf32, #tpu.memory_space<vmem>> -> memref<32x768xf32, #tpu.memory_space<vmem>>
    tpu.wait_dma2 semaphore(%arg16 : memref<!tpu.dma_semaphore, #tpu.memory_space<semaphore_mem>>) src(%dma_wait3A_462 : memref<32x768xf32, #tpu.memory_space<vmem>>) dst(%dma_wait3A_459 : memref<32x768xf32, #tpu.memory_space<hbm>>)
    %dma_wait3A_463 = arith.constant 64 : i32
    %dma_wait3A_464 = arith.constant 0 : i32
    %dma_wait3A_465 = tpu.memref_slice %arg6[%dma_wait3A_463, %dma_wait3A_464] : memref<128x768xf32, #tpu.memory_space<vmem>> -> memref<32x768xf32, #tpu.memory_space<vmem>>
    %dma_wait3A_466 = arith.constant 0 : i32
    %dma_wait3A_467 = tpu.memref_slice %arg4[%add3A_404, %dma_wait3A_466] : memref<8192x768xf32, #tpu.memory_space<hbm>> -> memref<32x768xf32, #tpu.memory_space<hbm>>
    %dma_wait3A_468 = arith.constant 0 : i32
    %dma_wait3A_469 = tpu.memref_slice %arg4[%add3A_404, %dma_wait3A_468] : memref<8192x768xf32, #tpu.memory_space<hbm>> -> memref<32x768xf32, #tpu.memory_space<hbm>>
    %dma_wait3A_470 = arith.constant 64 : i32
    %dma_wait3A_471 = arith.constant 0 : i32
    %dma_wait3A_472 = tpu.memref_slice %arg6[%dma_wait3A_470, %dma_wait3A_471] : memref<128x768xf32, #tpu.memory_space<vmem>> -> memref<32x768xf32, #tpu.memory_space<vmem>>
    tpu.wait_dma2 semaphore(%arg17 : memref<!tpu.dma_semaphore, #tpu.memory_space<semaphore_mem>>) src(%dma_wait3A_472 : memref<32x768xf32, #tpu.memory_space<vmem>>) dst(%dma_wait3A_469 : memref<32x768xf32, #tpu.memory_space<hbm>>)
    %dma_wait3A_473 = arith.constant 96 : i32
    %dma_wait3A_474 = arith.constant 0 : i32
    %dma_wait3A_475 = tpu.memref_slice %arg6[%dma_wait3A_473, %dma_wait3A_474] : memref<128x768xf32, #tpu.memory_space<vmem>> -> memref<32x768xf32, #tpu.memory_space<vmem>>
    %dma_wait3A_476 = arith.constant 0 : i32
    %dma_wait3A_477 = tpu.memref_slice %arg4[%add3A_432, %dma_wait3A_476] : memref<8192x768xf32, #tpu.memory_space<hbm>> -> memref<32x768xf32, #tpu.memory_space<hbm>>
    %dma_wait3A_478 = arith.constant 0 : i32
    %dma_wait3A_479 = tpu.memref_slice %arg4[%add3A_432, %dma_wait3A_478] : memref<8192x768xf32, #tpu.memory_space<hbm>> -> memref<32x768xf32, #tpu.memory_space<hbm>>
    %dma_wait3A_480 = arith.constant 96 : i32
    %dma_wait3A_481 = arith.constant 0 : i32
    %dma_wait3A_482 = tpu.memref_slice %arg6[%dma_wait3A_480, %dma_wait3A_481] : memref<128x768xf32, #tpu.memory_space<vmem>> -> memref<32x768xf32, #tpu.memory_space<vmem>>
    tpu.wait_dma2 semaphore(%arg18 : memref<!tpu.dma_semaphore, #tpu.memory_space<semaphore_mem>>) src(%dma_wait3A_482 : memref<32x768xf32, #tpu.memory_space<vmem>>) dst(%dma_wait3A_479 : memref<32x768xf32, #tpu.memory_space<hbm>>)
    return
  }
}

</mosaic_0001>

<sc_bundles>
// kernel: kernel.3.cloned.1.call-start
scs
__scs_entry_jumppad:
0x0: {  	(pc) =	sbr.rel $0x88, $3  }
0x1: {  	(tag) =	ssettag $0x0;
	lr =	simm.s32 $0x1  }
0x2: {  	[smem:$0x3F9F] =	sst lr;
	_ =	strace $0xD0000000  }
0x3: {  	_ = 	snop  }
0x4: {  	_ = 	snop  }
0x5: {  	_ = 	snop  }
0x6: {  	_ = 	snop  }
0x7: {  	_ = 	snop  }
__scs_overlays_trampoline_lowered:
0x8: {  	[smem:$0x3FAE] =	sst s0  }
0x9: {  	[smem:$0x3FAF] =	sst s1  }
0xa: {  	[smem:$0x3FB0] =	sst s2  }
0xb: {  	[smem:$0x3FB1] =	sst s3  }
0xc: {  	[smem:$0x3FB2] =	sst s4  }
0xd: {  	[smem:$0x3FB3] =	sst s5  }
0xe: {  	[smem:$0x3FB4] =	sst s6  }
0xf: {  	[smem:$0x3FB5] =	sst s7  }
0x10: {  	[smem:$0x3FB6] =	sst s8  }
0x11: {  	[smem:$0x3FB7] =	sst s9;
	s0 =	simm.s32 @!p0 $0x0  }
0x12: {  	s1 =	sld [smem:$0x3F9D];
	s0 =	simm.s32 @p0 $0x1  }
0x13: {  	[smem:$0x3FB8] =	sst s0;
	s0 =	simm.s32 @!p1 $0x0  }
0x14: {  	s2 =	sld [smem:$0x3F9C];
	s0 =	simm.s32 @p1 $0x1  }
0x15: {  	[smem:$0x3FB9] =	sst s0;
	s0 =	simm.s32 @!p2 $0x0  }
0x16: {  	s3 =	sld [smem:$0x3FDB];
	s0 =	simm.s32 @p2 $0x1  }
0x17: {  	s4 =	simm.s32 $0x1BF5;
	[smem:$0x3FBB] =	sst s0  }
0x18: {  	s0 =	sld [smem:$0x3F9E];
	_ =	swait.ge [sflag:s4], $0x0  }
0x19: {  	s7 =	sld [smem:$0x3F9F]  }
0x1a: {  	s8 =	sadd.s32 $0xFFFFE003, lr  }
0x1b: {  	s9 =	sadd.s32 $0xFFFFFEF7, lr;
	s5 =	simm.s32 $0xFFFFFFFF;
	p2 =	slt.u32 s8, $0xFFFFF086  }
0x1c: {  	p1 =	slt.u32 s9, $0xF7A;
	s5 =	simm.s32 @!p2 $0x0  }
0x1d: {  	s5 =	simm.s32 @p1 $0x1;
	p0 =	seq.s32 s7, s2  }
0x1e: {  	s7 =	smul.u32 @!p0 $0xF7A, s2;
	p2 =	seq.s32 @!p0 s5, $0x0  }
0x1f: {  	s9 =	smul.u32 $0xF7A, s1;
	s8 =	simm.s32 @!p0 $0x1BF5;
	p2 =	por !p2, p0  }
0x20: {  	[sflag:s8] =	ssyncset.s32 @!p0 $0xFFFFF086;
	s6 =	sadd.s32 @!p0 s3, s7;
	s7 =	simm.s32 @!p0 $0x108  }
0x21: {  	s3 =	sadd.s32 s3, s9;
	s6 =	sadd.s32 @!p0 $0x88, s6;
	s7 =	simm.s32 @p2 $0x1082  }
0x22: {  	[simem:s7], [sflag:s8] =	dma.local @!p0 [hbm:s6], $0xF7A  }
0x23: {  	s9 =	sor.u32 $0xD0000000, s2;
	s6 =	simm.s32 $0x108;
	_ =	swait.ge @!p0 [sflag:s8], $0x0  }
0x24: {  	s3 =	sadd.s32 $0x88, s3;
	s6 =	simm.s32 @!p1 $0x1082;
	[sflag:s4] =	ssyncset.s32 $0xFFFFF086  }
0x25: {  	[simem:s6], [sflag:s4] =	dma.local [hbm:s3], $0xF7A  }
0x26: {  	[smem:$0x3F9F] =	sst s1;
	(tag) =	ssettag s2;
	_ =	strace s9  }
0x27: {  	s1 =	sld [smem:$0x3FAF]  }
0x28: {  	s2 =	sld [smem:$0x3FB0]  }
0x29: {  	s4 =	sld [smem:$0x3FB2]  }
0x2a: {  	p0 =	seq.s32 s5, $0x0;
	s5 =	sld [smem:$0x3FB3]  }
0x2b: {  	s6 =	sld [smem:$0x3FB4]  }
0x2c: {  	s7 =	sld [smem:$0x3FB5]  }
0x2d: {  	s3 =	simm.s32 $0x108;
	s8 =	sld [smem:$0x3FB6]  }
0x2e: {  	s3 =	simm.s32 @!p0 $0x1082;
	s9 =	sld [smem:$0x3FB7]  }
0x2f: {  	lr =	sadd.s32 s0, s3;
	s0 =	sld [smem:$0x3FAE]  }
0x30: {  	s3 =	sld [smem:$0x3FB1]  }
0x31: {  	[smem:$0x3FBA] =	sst s10  }
0x32: {  	s10 =	sld [smem:$0x3FB8];
	_ =	sdelay $0x3  }
0x33: {  	p0 =	seq.s32 s10, $0x1;
	s10 =	sld [smem:$0x3FBA];
	_ =	sdelay $0x3  }
0x34: {  	[smem:$0x3FBA] =	sst s10  }
0x35: {  	s10 =	sld [smem:$0x3FB9];
	_ =	sdelay $0x3  }
0x36: {  	p1 =	seq.s32 s10, $0x1;
	s10 =	sld [smem:$0x3FBA];
	_ =	sdelay $0x3  }
0x37: {  	[smem:$0x3FBA] =	sst s10  }
0x38: {  	s10 =	sld [smem:$0x3FBB]  }
0x39: {  	_ = 	snop;
	(pc) =	sbr.ind lr, $3  }
0x3a: {  	_ = 	snop  }
0x3b: {  	_ = 	snop  }
0x3c: {  	p2 =	seq.s32 s10, $0x1;
	s10 =	sld [smem:$0x3FBA]  }
0x3d: {  	_ =	shalt  }
0x3e: {  	_ =	shalt  }
0x3f: {  	_ =	shalt  }
0x40: {  	_ =	shalt  }
0x41: {  	_ =	shalt  }
0x42: {  	_ =	shalt  }
0x43: {  	_ =	shalt  }
0x44: {  	_ =	shalt  }
0x45: {  	_ =	shalt  }
0x46: {  	_ =	shalt  }
0x47: {  	_ =	shalt  }
0x48: {  	_ =	shalt  }
0x49: {  	_ =	shalt  }
0x4a: {  	_ =	shalt  }
0x4b: {  	_ =	shalt  }
0x4c: {  	_ =	shalt  }
0x4d: {  	_ =	shalt  }
0x4e: {  	_ =	shalt  }
0x4f: {  	_ =	shalt  }
0x50: {  	_ =	shalt  }
0x51: {  	_ =	shalt  }
0x52: {  	_ =	shalt  }
0x53: {  	_ =	shalt  }
0x54: {  	_ =	shalt  }
0x55: {  	_ =	shalt  }
0x56: {  	_ =	shalt  }
0x57: {  	_ =	shalt  }
0x58: {  	_ =	shalt  }
0x59: {  	_ =	shalt  }
0x5a: {  	_ =	shalt  }
0x5b: {  	_ =	shalt  }
0x5c: {  	_ =	shalt  }
0x5d: {  	_ =	shalt  }
0x5e: {  	_ =	shalt  }
0x5f: {  	_ =	shalt  }
0x60: {  	_ =	shalt  }
0x61: {  	_ =	shalt  }
0x62: {  	_ =	shalt  }
0x63: {  	_ =	shalt  }
0x64: {  	_ =	shalt  }
0x65: {  	_ =	shalt  }
0x66: {  	_ =	shalt  }
0x67: {  	_ =	shalt  }
0x68: {  	_ =	shalt  }
0x69: {  	_ =	shalt  }
0x6a: {  	_ =	shalt  }
0x6b: {  	_ =	shalt  }
0x6c: {  	_ =	shalt  }
0x6d: {  	_ =	shalt  }
0x6e: {  	_ =	shalt  }
0x6f: {  	_ =	shalt  }
0x70: {  	_ =	shalt  }
0x71: {  	_ =	shalt  }
0x72: {  	_ =	shalt  }
0x73: {  	_ =	shalt  }
0x74: {  	_ =	shalt  }
0x75: {  	_ =	shalt  }
0x76: {  	_ =	shalt  }
0x77: {  	_ =	shalt  }
0x78: {  	_ =	shalt  }
0x79: {  	_ =	shalt  }
0x7a: {  	_ =	shalt  }
0x7b: {  	_ =	shalt  }
0x7c: {  	_ =	shalt  }
0x7d: {  	_ =	shalt  }
0x7e: {  	_ =	shalt  }
0x7f: {  	_ =	shalt  }
0x80: {  	_ =	shalt  }
0x81: {  	_ =	shalt  }
0x82: {  	_ =	shalt  }
0x83: {  	_ =	shalt  }
0x84: {  	_ =	shalt  }
0x85: {  	_ =	shalt  }
0x86: {  	_ =	shalt  }
0x87: {  	_ =	shalt  }
.Lfunc_end0:
.L_simem_size_0:
called_computation_lowered:
.L_overlay_start_0:
0x88: {  	s2 =	sld [smem:$0x3FD9]  }
0x89: {  	s3 =	sld [smem:$0x3FFE];
	_ =	sdelay $0x1  }
0x8a: {  	s1 =	srdreg.scid  }
0x8b: {  	s0 =	sand.u32 $0x1, s1  }
0x8c: {  	s18 =	sshll.u32 s0, $0xA;
	s2 =	sadd.s32 s3, s2  }
0x8d: {  	s2 =	sadd.s32 s2, s18  }
0x8e: {  	[smem:$0x3FC6] =	sst s2  }
0x8f: {  	_ = 	snop  }
0x90: {  	s2 =	sld [smem:$0x3FC9]  }
0x91: {  	s19 =	sld [smem:$0x3FC8]  }
0x92: {  	s4 =	sld [smem:$0x3FD0];
	(tm) =	ssettm $0x1  }
0x93: {  	s5 =	sld [smem:$0x3FFB];
	_ =	sdelay $0x3  }
0x94: {  	_ =	strace s5  }
0x95: {  	s5 =	sld [smem:$0x3FFC];
	_ =	sdelay $0x3  }
0x96: {  	_ =	strace s5  }
0x97: {  	s5 =	sld [smem:$0x3FFD];
	_ =	sdelay $0x3  }
0x98: {  	_ =	strace s5  }
0x99: {  	_ =	strace $0x8FFFFFFF  }
0x9a: {  	s20 =	sld [smem:$0x3FDB];
	_ =	sdelay $0x1  }
0x9b: {  	s6 =	simm.s32 $_scs_section_size  }
0x9c: {  	s7 =	simm.s32 $_size__tile_overlayer_lowered;
	s8 =	simm.s32 $_tile_overlayer_lowered  }
0x9d: {  	s23 =	simm.s32 $0x1BFF;
	s22 =	sshll.u32 s8, $0x1;
	s5 =	sadd.s32 s6, s20  }
0x9e: {  	s9 =	simm.s32 $0x0;
	s21 =	sshll.u32 s7, $0x1;
	s7 =	sadd.s32 s22, s5  }
0x9f: {  	[timem:s9], [sflag:s23] =	dma.local [hbm:s7], s21  }
0xa0: {  	_ =	swait.ge [sflag:s23], s21  }
0xa1: {  	s6 =	ssub.s32 $0x0, s21;
	[sflag:s23] =	ssyncset.done $0x0  }
0xa2: {  	[sflag:s23] =	ssyncadd.s32 s6;
	_ =	sdelay $0x1  }
0xa3: {  	s24 =	simm.s32 $0x1B8B  }
0xa4: {  	_ =	swait.ge [sflag:s24], $0x1  }
0xa5: {  	[sflag:s24] =	ssyncset.done $0x0  }
0xa6: {  	s25 =	simm.s32 $0x1B8E;
	[sflag:s24] =	ssyncadd.s32 $0xFFFFFFFF  }
0xa7: {  	s26 =	simm.s32 $execute0_lowered;
	[smem:$0x3FD2] =	sst s25  }
0xa8: {  	s6 =	sshll.u32 s26, $0x1;
	_ =	strace $0x80000046;
	[dreg:$0x1] =	wrdreg $0xFFFFFFFF  }
0xa9: {  	s28 =	simm.s32 $_size_execute0_lowered;
	s5 =	sadd.s32 s5, s6;
	[dreg:$0x0] =	wrdreg $0x0  }
0xaa: {  	s6 =	sshll.u32 s28, $0x1;
	[dreg:$0x2] =	wrdreg s5  }
0xab: {  	[dreg:$0x3] =	wrdreg s6  }
0xac: {  	[dreg:$0x4] =	wrdreg $0xC0  }
0xad: {  	_ =	task [dreg:s9], $0x5FFFF  }
0xae: {  	[dreg:$0x1] =	wrdreg $0xFFFFFFFF  }
0xaf: {  	[dreg:$0x0] =	wrdreg $0x60  }
0xb0: {  	[dreg:$0x2] =	wrdreg s2  }
0xb1: {  	[dreg:$0x3] =	wrdreg s19  }
0xb2: {  	[dreg:$0x4] =	wrdreg s4  }
0xb3: {  	[dreg:$0x5] =	wrdreg $0x9  }
0xb4: {  	_ =	task.clear_ibuf [dreg:s9], $0x6FFFF;
	_ =	strace $0x90000046  }
0xb5: {  	s29 =	simm.s32 $0x9;
	_ =	strace $0x80000048  }
0xb6: {  	_ =	swait.ge [sflag:s29], $0x1  }
0xb7: {  	[sflag:s29] =	ssyncadd.s32 $0xFFFFFFFF  }
0xb8: {  	_ =	strace $0x90000048  }
0xb9: {  	_ =	sfence  }
0xba: {  	s30 =	sld [smem:$0x0];
	_ =	sdelay $0x2  }
0xbb: {  	s31 =	sshll.u32 s1, $0xD;
	s1 =	sshrl.u32 s1, $0x2  }
0xbc: {  	s3 =	sand.u32 $0x4000, s31;
	s1 =	sadd.s32 s1, s30  }
0xbd: {  	s0 =	sor.u32 s3, s0;
	s1 =	sshll.u32 s1, $0x11  }
0xbe: {  	s0 =	sor.u32 s1, s0  }
0xbf: {  	s0 =	sadd.s32 $0x8F2B, s0  }
0xc0: {  	[sflag:s0] =	ssyncadd.remote.s32 $0x1  }
0xc1: {  	_ =	sfence.sel $0xFFFF  }
0xc2: {  	[dreg:$0x0] =	wrdreg $0xFFFFFFFF;
	(pc) =	sbr.abs _section_cstart, $3  }
0xc3: {  	[dreg:$0x1] =	wrdreg $0xFFFFFFFF  }
0xc4: {  	_ =	task.clear_ibuf [dreg:s9], $0x2FFFF;
	_ =	strace $0x9FFFFFFF  }
0xc5: {  	(tm) =	ssettm $0x7FFFFFFF  }
tec
execute0_lowered:
.L_overlay_start_1:
0x0: {  	(tag) =	ssettag $0x1  }
0x1: {  	s0 =	srdreg.scid;
	s1 =	rddreg [dreg:$0x0]  }
0x2: {  	s6 =	stileid.u32;
	s2 =	rddreg [dreg:$0x1]  }
0x3: {  	s5 =	rddreg [dreg:$0x2];
	s0 =	sand.u32 $0x1, s0;
	s3 =	sshll.u32 s6, $0x1  }
0x4: {  	s29 =	simm.s32 $0x80;
	s30 =	simm.s32 $0x4900;
	s4 =	sor.u32 s0, s3  }
0x5: {  	s31 =	simm.s32 $0x6900;
	s6 =	sshll.u32 s6, $0x2;
	s7 =	smul.u32 $0x6000, s4  }
0x6: {  	s0 =	ssub.s32 $0x2, s0;
	s3 =	sshll.u32 s4, $0x7;
	s18 =	smul.u32 $0x30000, s4  }
0x7: {  	s24 =	sshrl.u32 s0, $0x1;
	s6 =	sor.u32 s6, s3;
	s3 =	simm.s32 $0x0  }
0x8: {  	s4 =	simm.s32 $0x9;
	[smem:$0x7FF] =	sst s3;
	s20 =	sadd.s32 s5, s7  }
0x9: {  	s6 =	sand.u32 $0x3B0, s6;
	_ =	strace $0x80000047;
	[dreg:$0xe] =	wrdreg s20  }
0xa: {  	s0 =	ssub.s32 s0, s24;
	s6 =	sadd.s32 s1, s6;
	[dreg:$0xc] =	wrdreg s29  }
0xb: {  	s24 =	simm.s32 $0xB900;
	s21 =	sadd.s32 $0xC00, s20;
	[dreg:$0xd] =	wrdreg s6  }
0xc: {  	s1 =	sshrl.u32 s18, $0x3;
	s22 =	sadd.s32 $0x1800, s20;
	[dreg:$0x5] =	wrdreg s21  }
0xd: {  	s19 =	sadd.s32 $0x40, s6;
	s1 =	sadd.s32 s5, s1;
	[dreg:$0x6] =	wrdreg s22  }
0xe: {  	s7 =	sadd.s32 $0x200, s2;
	[dreg:$0x4] =	wrdreg s19;
	s23 =	sadd.s32 $0x2400, s1  }
0xf: {  	s20 =	simm.s32 $0x8100;
	s25 =	sadd.s32 $0x3000, s1;
	[dreg:$0x7] =	wrdreg s23  }
0x10: {  	s6 =	sadd.s32 $0x100, s2;
	s26 =	sadd.s32 $0x3C00, s1;
	[dreg:$0x8] =	wrdreg s25  }
0x11: {  	s22 =	smax.u32 s0, $0x1;
	s28 =	sadd.s32 $0x4800, s1;
	[dreg:$0x9] =	wrdreg s26  }
0x12: {  	v2 =	vlaneseq.u32;
	s21 =	simm.s32 $0x8900;
	s1 =	sadd.s32 $0x5400, s1;
	[dreg:$0xa] =	wrdreg s28  }
0x13: {  	vm0 =	vmmov $0xffff;
	v1 =	vshrl.u32 v2, $0x3;
	s5 =	simm.s32 $0x12100;
	s19 =	simm.s32 $0x7100;
	[dreg:$0xb] =	wrdreg s1  }
0x14: {  	v0 =	vand.u32 $0x7, v2;
	v2 =	vor.u32 $0x8, v2;
	v1 =	vmul.u32 $0x8, v1;
	s23 =	simm.s32 $0x9100;
	s26 =	simm.s32 $0x9900;
	s25 =	simm.s32 $0xC100  }
.LBB2_1:
0x15: {  	s28 =	rddreg [dreg:$0xd];
	s0 =	simm.s32 $0xE  }
0x16: {  	[tilespmem:s3], [sflag:$0xE] =	stream.linear.gather [hbm4b:s28+s3], $0x80, $0x38;
	[tilespmem:$0x18100] =	vst v63  }
0x17: {  	_ =	swait.ge [sflag:s0], $0x80  }
0x18: {  	s16 =	rddreg [dreg:$0x4];
	[sflag:s0] =	ssyncset.done $0x0  }
0x19: {  	s29 =	rddreg [dreg:$0xc];
	[sflag:s0] =	ssyncadd.s32 $0xFFFFFF80  }
0x1a: {  	[tilespmem:s29], [sflag:$0xD] =	stream.linear.gather [hbm4b:s16+s3], $0x80, $0x38;
	[tilespmem:$0x18100] =	vst v63  }
0x1b: {  	v3 =	vld [tilespmem:$0x0];
	_ =	sdelay $0x4  }
0x1c: {  	v4 =	vshrl.u32 v3, $0x3  }
0x1d: {  	v4 =	vmul.u32 $0x30, v4  }
0x1e: {  	v3 =	vand.u32 $0x7, v3  }
0x1f: {  	v3 =	vor.u32 v3, v4  }
0x20: {  	v4 =	vperm.xlane v3, v0;
	_ =	sdelay $0x1  }
0x21: {  	v4 =	vadd.s32 v1, v4;
	_ =	sdelay $0x3  }
0x22: {  	s17 =	simm.s32 $0x100;
	v3 =	vperm.xlane v3, v2  }
0x23: {  	[tilespmem:s17], [sflag:$0x1] =	stream.indirect_vreg.gather [hbm4b:s2+s3], $0x80, v4, vm0, $0xb8;
	[tilespmem:$0x18100] =	vst v63  }
0x24: {  	s29 =	simm.s32 $0x900;
	v3 =	vadd.s32 v1, v3  }
0x25: {  	[tilespmem:s29], [sflag:$0x1] =	stream.indirect_vreg.gather [hbm4b:s6+s3], $0x80, v4, vm0, $0xb8;
	[tilespmem:$0x18100] =	vst v63  }
0x26: {  	s9 =	simm.s32 $0x1100  }
0x27: {  	[tilespmem:s9], [sflag:$0x1] =	stream.indirect_vreg.gather [hbm4b:s7+s3], $0x80, v4, vm0, $0xb8;
	[tilespmem:$0x18100] =	vst v63  }
0x28: {  	s11 =	simm.s32 $0x1900  }
0x29: {  	[tilespmem:s11], [sflag:$0x1] =	stream.indirect_vreg.gather [hbm4b:s2+s3], $0x80, v3, vm0, $0xb8;
	[tilespmem:$0x18100] =	vst v63  }
0x2a: {  	s10 =	simm.s32 $0x2100  }
0x2b: {  	[tilespmem:s10], [sflag:$0x1] =	stream.indirect_vreg.gather [hbm4b:s6+s3], $0x80, v3, vm0, $0xb8;
	[tilespmem:$0x18100] =	vst v63  }
0x2c: {  	s12 =	simm.s32 $0x2900  }
0x2d: {  	[tilespmem:s12], [sflag:$0x1] =	stream.indirect_vreg.gather [hbm4b:s7+s3], $0x80, v3, vm0, $0xb8;
	[tilespmem:$0x18100] =	vst v63  }
0x2e: {  	v3 =	vld [tilespmem:$0x10];
	_ =	sdelay $0x4  }
0x2f: {  	v49 =	vshrl.u32 v3, $0x3  }
0x30: {  	v4 =	vmul.u32 $0x30, v49  }
0x31: {  	v3 =	vand.u32 $0x7, v3  }
0x32: {  	v3 =	vor.u32 v3, v4  }
0x33: {  	v4 =	vperm.xlane v3, v0;
	_ =	sdelay $0x1  }
0x34: {  	v4 =	vadd.s32 v1, v4;
	_ =	sdelay $0x3  }
0x35: {  	s13 =	simm.s32 $0x3100;
	v3 =	vperm.xlane v3, v2  }
0x36: {  	[tilespmem:s13], [sflag:$0x2] =	stream.indirect_vreg.gather [hbm4b:s2+s3], $0x80, v4, vm0, $0xb8;
	[tilespmem:$0x18100] =	vst v63  }
0x37: {  	s14 =	simm.s32 $0x3900;
	v3 =	vadd.s32 v1, v3  }
0x38: {  	[tilespmem:s14], [sflag:$0x2] =	stream.indirect_vreg.gather [hbm4b:s6+s3], $0x80, v4, vm0, $0xb8;
	[tilespmem:$0x18100] =	vst v63  }
0x39: {  	s15 =	simm.s32 $0x4100  }
0x3a: {  	[tilespmem:s15], [sflag:$0x2] =	stream.indirect_vreg.gather [hbm4b:s7+s3], $0x80, v4, vm0, $0xb8;
	[tilespmem:$0x18100] =	vst v63  }
0x3b: {  	_ = 	snop  }
0x3c: {  	[tilespmem:s30], [sflag:$0x2] =	stream.indirect_vreg.gather [hbm4b:s2+s3], $0x80, v3, vm0, $0xb8;
	[tilespmem:$0x18100] =	vst v63  }
0x3d: {  	s16 =	simm.s32 $0x5100  }
0x3e: {  	[tilespmem:s16], [sflag:$0x2] =	stream.indirect_vreg.gather [hbm4b:s6+s3], $0x80, v3, vm0, $0xb8;
	[tilespmem:$0x18100] =	vst v63  }
0x3f: {  	s17 =	simm.s32 $0x5900  }
0x40: {  	[tilespmem:s17], [sflag:$0x2] =	stream.indirect_vreg.gather [hbm4b:s7+s3], $0x80, v3, vm0, $0xb8;
	[tilespmem:$0x18100] =	vst v63  }
0x41: {  	v3 =	vld [tilespmem:$0x20];
	_ =	sdelay $0x4  }
0x42: {  	v50 =	vshrl.u32 v3, $0x3  }
0x43: {  	v4 =	vmul.u32 $0x30, v50  }
0x44: {  	v3 =	vand.u32 $0x7, v3  }
0x45: {  	v3 =	vor.u32 v3, v4  }
0x46: {  	v4 =	vperm.xlane v3, v0;
	_ =	sdelay $0x1  }
0x47: {  	v4 =	vadd.s32 v1, v4;
	_ =	sdelay $0x3  }
0x48: {  	s18 =	simm.s32 $0x6100;
	v3 =	vperm.xlane v3, v2  }
0x49: {  	[tilespmem:s18], [sflag:$0x3] =	stream.indirect_vreg.gather [hbm4b:s2+s3], $0x80, v4, vm0, $0xb8;
	[tilespmem:$0x18100] =	vst v63  }
0x4a: {  	v3 =	vadd.s32 v1, v3  }
0x4b: {  	[tilespmem:s31], [sflag:$0x3] =	stream.indirect_vreg.gather [hbm4b:s6+s3], $0x80, v4, vm0, $0xb8;
	[tilespmem:$0x18100] =	vst v63  }
0x4c: {  	_ = 	snop  }
0x4d: {  	[tilespmem:s19], [sflag:$0x3] =	stream.indirect_vreg.gather [hbm4b:s7+s3], $0x80, v4, vm0, $0xb8;
	[tilespmem:$0x18100] =	vst v63  }
0x4e: {  	s18 =	simm.s32 $0x7900  }
0x4f: {  	[tilespmem:s18], [sflag:$0x3] =	stream.indirect_vreg.gather [hbm4b:s2+s3], $0x80, v3, vm0, $0xb8;
	[tilespmem:$0x18100] =	vst v63  }
0x50: {  	_ = 	snop  }
0x51: {  	[tilespmem:s20], [sflag:$0x3] =	stream.indirect_vreg.gather [hbm4b:s6+s3], $0x80, v3, vm0, $0xb8;
	[tilespmem:$0x18100] =	vst v63  }
0x52: {  	_ = 	snop  }
0x53: {  	[tilespmem:s21], [sflag:$0x3] =	stream.indirect_vreg.gather [hbm4b:s7+s3], $0x80, v3, vm0, $0xb8;
	[tilespmem:$0x18100] =	vst v63  }
0x54: {  	v3 =	vld [tilespmem:$0x30];
	_ =	sdelay $0x4  }
0x55: {  	v51 =	vshrl.u32 v3, $0x3  }
0x56: {  	v4 =	vmul.u32 $0x30, v51  }
0x57: {  	v3 =	vand.u32 $0x7, v3  }
0x58: {  	v3 =	vor.u32 v3, v4  }
0x59: {  	v4 =	vperm.xlane v3, v0;
	_ =	sdelay $0x1  }
0x5a: {  	v4 =	vadd.s32 v1, v4;
	_ =	sdelay $0x3  }
0x5b: {  	v3 =	vperm.xlane v3, v2  }
0x5c: {  	[tilespmem:s23], [sflag:$0x4] =	stream.indirect_vreg.gather [hbm4b:s2+s3], $0x80, v4, vm0, $0xb8;
	[tilespmem:$0x18100] =	vst v63  }
0x5d: {  	v3 =	vadd.s32 v1, v3  }
0x5e: {  	[tilespmem:s26], [sflag:$0x4] =	stream.indirect_vreg.gather [hbm4b:s6+s3], $0x80, v4, vm0, $0xb8;
	[tilespmem:$0x18100] =	vst v63  }
0x5f: {  	s28 =	simm.s32 $0xA100  }
0x60: {  	[tilespmem:s28], [sflag:$0x4] =	stream.indirect_vreg.gather [hbm4b:s7+s3], $0x80, v4, vm0, $0xb8;
	[tilespmem:$0x18100] =	vst v63  }
0x61: {  	s1 =	simm.s32 $0xA900  }
0x62: {  	[tilespmem:s1], [sflag:$0x4] =	stream.indirect_vreg.gather [hbm4b:s2+s3], $0x80, v3, vm0, $0xb8;
	[tilespmem:$0x18100] =	vst v63  }
0x63: {  	s8 =	simm.s32 $0xB100  }
0x64: {  	[tilespmem:s8], [sflag:$0x4] =	stream.indirect_vreg.gather [hbm4b:s6+s3], $0x80, v3, vm0, $0xb8;
	[tilespmem:$0x18100] =	vst v63  }
0x65: {  	_ = 	snop  }
0x66: {  	[tilespmem:s24], [sflag:$0x4] =	stream.indirect_vreg.gather [hbm4b:s7+s3], $0x80, v3, vm0, $0xb8;
	[tilespmem:$0x18100] =	vst v63  }
0x67: {  	v3 =	vld [tilespmem:$0x40];
	_ =	sdelay $0x4  }
0x68: {  	v52 =	vshrl.u32 v3, $0x3  }
0x69: {  	v4 =	vmul.u32 $0x30, v52  }
0x6a: {  	v3 =	vand.u32 $0x7, v3  }
0x6b: {  	v3 =	vor.u32 v3, v4  }
0x6c: {  	v4 =	vperm.xlane v3, v0;
	_ =	sdelay $0x1  }
0x6d: {  	v4 =	vadd.s32 v1, v4;
	_ =	sdelay $0x3  }
0x6e: {  	v3 =	vperm.xlane v3, v2  }
0x6f: {  	[tilespmem:s25], [sflag:$0x5] =	stream.indirect_vreg.gather [hbm4b:s2+s3], $0x80, v4, vm0, $0xb8;
	[tilespmem:$0x18100] =	vst v63  }
0x70: {  	s28 =	simm.s32 $0xC900;
	v3 =	vadd.s32 v1, v3  }
0x71: {  	[tilespmem:s28], [sflag:$0x5] =	stream.indirect_vreg.gather [hbm4b:s6+s3], $0x80, v4, vm0, $0xb8;
	[tilespmem:$0x18100] =	vst v63  }
0x72: {  	s1 =	simm.s32 $0xD100  }
0x73: {  	[tilespmem:s1], [sflag:$0x5] =	stream.indirect_vreg.gather [hbm4b:s7+s3], $0x80, v4, vm0, $0xb8;
	[tilespmem:$0x18100] =	vst v63  }
0x74: {  	s8 =	simm.s32 $0xD900  }
0x75: {  	[tilespmem:s8], [sflag:$0x5] =	stream.indirect_vreg.gather [hbm4b:s2+s3], $0x80, v3, vm0, $0xb8;
	[tilespmem:$0x18100] =	vst v63  }
0x76: {  	s28 =	simm.s32 $0xE100  }
0x77: {  	[tilespmem:s28], [sflag:$0x5] =	stream.indirect_vreg.gather [hbm4b:s6+s3], $0x80, v3, vm0, $0xb8;
	[tilespmem:$0x18100] =	vst v63  }
0x78: {  	s1 =	simm.s32 $0xE900  }
0x79: {  	[tilespmem:s1], [sflag:$0x5] =	stream.indirect_vreg.gather [hbm4b:s7+s3], $0x80, v3, vm0, $0xb8;
	[tilespmem:$0x18100] =	vst v63  }
0x7a: {  	v3 =	vld [tilespmem:$0x50];
	_ =	sdelay $0x4  }
0x7b: {  	v53 =	vshrl.u32 v3, $0x3  }
0x7c: {  	v4 =	vmul.u32 $0x30, v53  }
0x7d: {  	v3 =	vand.u32 $0x7, v3  }
0x7e: {  	v3 =	vor.u32 v3, v4  }
0x7f: {  	v4 =	vperm.xlane v3, v0;
	_ =	sdelay $0x1  }
0x80: {  	v4 =	vadd.s32 v1, v4;
	_ =	sdelay $0x3  }
0x81: {  	s8 =	simm.s32 $0xF100;
	v3 =	vperm.xlane v3, v2  }
0x82: {  	[tilespmem:s8], [sflag:$0x6] =	stream.indirect_vreg.gather [hbm4b:s2+s3], $0x80, v4, vm0, $0xb8;
	[tilespmem:$0x18100] =	vst v63  }
0x83: {  	s28 =	simm.s32 $0xF900;
	v3 =	vadd.s32 v1, v3  }
0x84: {  	[tilespmem:s28], [sflag:$0x6] =	stream.indirect_vreg.gather [hbm4b:s6+s3], $0x80, v4, vm0, $0xb8;
	[tilespmem:$0x18100] =	vst v63  }
0x85: {  	s1 =	simm.s32 $0x10100  }
0x86: {  	[tilespmem:s1], [sflag:$0x6] =	stream.indirect_vreg.gather [hbm4b:s7+s3], $0x80, v4, vm0, $0xb8;
	[tilespmem:$0x18100] =	vst v63  }
0x87: {  	s8 =	simm.s32 $0x10900  }
0x88: {  	[tilespmem:s8], [sflag:$0x6] =	stream.indirect_vreg.gather [hbm4b:s2+s3], $0x80, v3, vm0, $0xb8;
	[tilespmem:$0x18100] =	vst v63  }
0x89: {  	s28 =	simm.s32 $0x11100  }
0x8a: {  	[tilespmem:s28], [sflag:$0x6] =	stream.indirect_vreg.gather [hbm4b:s6+s3], $0x80, v3, vm0, $0xb8;
	[tilespmem:$0x18100] =	vst v63  }
0x8b: {  	s1 =	simm.s32 $0x11900  }
0x8c: {  	[tilespmem:s1], [sflag:$0x6] =	stream.indirect_vreg.gather [hbm4b:s7+s3], $0x80, v3, vm0, $0xb8;
	[tilespmem:$0x18100] =	vst v63  }
0x8d: {  	v3 =	vld [tilespmem:$0x60];
	_ =	sdelay $0x4  }
0x8e: {  	v54 =	vshrl.u32 v3, $0x3  }
0x8f: {  	v4 =	vmul.u32 $0x30, v54  }
0x90: {  	v3 =	vand.u32 $0x7, v3  }
0x91: {  	v3 =	vor.u32 v3, v4  }
0x92: {  	v4 =	vperm.xlane v3, v0;
	_ =	sdelay $0x1  }
0x93: {  	v4 =	vadd.s32 v1, v4;
	_ =	sdelay $0x3  }
0x94: {  	v3 =	vperm.xlane v3, v2  }
0x95: {  	[tilespmem:s5], [sflag:$0x7] =	stream.indirect_vreg.gather [hbm4b:s2+s3], $0x80, v4, vm0, $0xb8;
	[tilespmem:$0x18100] =	vst v63  }
0x96: {  	s8 =	simm.s32 $0x12900;
	v3 =	vadd.s32 v1, v3  }
0x97: {  	[tilespmem:s8], [sflag:$0x7] =	stream.indirect_vreg.gather [hbm4b:s6+s3], $0x80, v4, vm0, $0xb8;
	[tilespmem:$0x18100] =	vst v63  }
0x98: {  	s28 =	simm.s32 $0x13100  }
0x99: {  	[tilespmem:s28], [sflag:$0x7] =	stream.indirect_vreg.gather [hbm4b:s7+s3], $0x80, v4, vm0, $0xb8;
	[tilespmem:$0x18100] =	vst v63  }
0x9a: {  	s1 =	simm.s32 $0x13900  }
0x9b: {  	[tilespmem:s1], [sflag:$0x7] =	stream.indirect_vreg.gather [hbm4b:s2+s3], $0x80, v3, vm0, $0xb8;
	[tilespmem:$0x18100] =	vst v63  }
0x9c: {  	s8 =	simm.s32 $0x14100  }
0x9d: {  	[tilespmem:s8], [sflag:$0x7] =	stream.indirect_vreg.gather [hbm4b:s6+s3], $0x80, v3, vm0, $0xb8;
	[tilespmem:$0x18100] =	vst v63  }
0x9e: {  	s28 =	simm.s32 $0x14900;
	s1 =	simm.s32 $0xD  }
0x9f: {  	[tilespmem:s28], [sflag:$0x7] =	stream.indirect_vreg.gather [hbm4b:s7+s3], $0x80, v3, vm0, $0xb8;
	[tilespmem:$0x18100] =	vst v63  }
0xa0: {  	_ =	swait.ge [sflag:s1], $0x80  }
0xa1: {  	[sflag:s1] =	ssyncset.done $0x0  }
0xa2: {  	s0 =	simm.s32 $0x1;
	[sflag:s1] =	ssyncadd.s32 $0xFFFFFF80  }
0xa3: {  	_ =	swait.ge [sflag:s0], $0x3000  }
0xa4: {  	[sflag:s0] =	ssyncset.done $0x0  }
0xa5: {  	[sflag:s0] =	ssyncadd.s32 $0xFFFFD000  }
0xa6: {  	v3 =	vld [tilespmem:$0x70];
	_ =	sdelay $0x4  }
0xa7: {  	v55 =	vshrl.u32 v3, $0x3  }
0xa8: {  	v4 =	vmul.u32 $0x30, v55  }
0xa9: {  	v3 =	vand.u32 $0x7, v3  }
0xaa: {  	v3 =	vor.u32 v3, v4  }
0xab: {  	v4 =	vperm.xlane v3, v0;
	_ =	sdelay $0x1  }
0xac: {  	v4 =	vadd.s32 v1, v4;
	_ =	sdelay $0x3  }
0xad: {  	s1 =	simm.s32 $0x15100;
	v3 =	vperm.xlane v3, v2  }
0xae: {  	[tilespmem:s1], [sflag:$0x8] =	stream.indirect_vreg.gather [hbm4b:s2+s3], $0x80, v4, vm0, $0xb8;
	[tilespmem:$0x18100] =	vst v63  }
0xaf: {  	s8 =	simm.s32 $0x15900;
	v3 =	vadd.s32 v1, v3  }
0xb0: {  	[tilespmem:s8], [sflag:$0x8] =	stream.indirect_vreg.gather [hbm4b:s6+s3], $0x80, v4, vm0, $0xb8;
	[tilespmem:$0x18100] =	vst v63  }
0xb1: {  	s28 =	simm.s32 $0x16100  }
0xb2: {  	[tilespmem:s28], [sflag:$0x8] =	stream.indirect_vreg.gather [hbm4b:s7+s3], $0x80, v4, vm0, $0xb8;
	[tilespmem:$0x18100] =	vst v63  }
0xb3: {  	s8 =	simm.s32 $0x16900  }
0xb4: {  	[tilespmem:s8], [sflag:$0x8] =	stream.indirect_vreg.gather [hbm4b:s2+s3], $0x80, v3, vm0, $0xb8;
	[tilespmem:$0x18100] =	vst v63  }
0xb5: {  	s28 =	simm.s32 $0x17100  }
0xb6: {  	[tilespmem:s28], [sflag:$0x8] =	stream.indirect_vreg.gather [hbm4b:s6+s3], $0x80, v3, vm0, $0xb8;
	[tilespmem:$0x18100] =	vst v63  }
0xb7: {  	s1 =	simm.s32 $0x2;
	s8 =	simm.s32 $0x17900  }
0xb8: {  	[tilespmem:s8], [sflag:$0x8] =	stream.indirect_vreg.gather [hbm4b:s7+s3], $0x80, v3, vm0, $0xb8;
	[tilespmem:$0x18100] =	vst v63  }
0xb9: {  	_ =	swait.ge [sflag:s1], $0x3000  }
0xba: {  	[sflag:s1] =	ssyncset.done $0x0  }
0xbb: {  	s8 =	simm.s32 $0x100;
	s28 =	rddreg [dreg:$0xe];
	[sflag:s1] =	ssyncadd.s32 $0xFFFFD000  }
0xbc: {  	[hbm4b:s28+s3] =	stream.linear.scatter [tilespmem:s8], [sflag:$0x9], $0x6000, $0x38;
	[tilespmem:$0x18100] =	vst v63  }
0xbd: {  	_ =	swait.ge [sflag:s4], $0x6000  }
0xbe: {  	[sflag:s4] =	ssyncset.done $0x0  }
0xbf: {  	[sflag:s4] =	ssyncadd.s32 $0xFFFFA000  }
0xc0: {  	v3 =	vld [tilespmem:$0x80];
	_ =	sdelay $0x4  }
0xc1: {  	v56 =	vshrl.u32 v3, $0x3  }
0xc2: {  	v4 =	vmul.u32 $0x30, v56  }
0xc3: {  	v3 =	vand.u32 $0x7, v3  }
0xc4: {  	v3 =	vor.u32 v3, v4  }
0xc5: {  	v4 =	vperm.xlane v3, v0;
	_ =	sdelay $0x1  }
0xc6: {  	v4 =	vadd.s32 v1, v4;
	_ =	sdelay $0x3  }
0xc7: {  	v3 =	vperm.xlane v3, v2  }
0xc8: {  	[tilespmem:s8], [sflag:$0x1] =	stream.indirect_vreg.gather [hbm4b:s2+s3], $0x80, v4, vm0, $0xb8;
	[tilespmem:$0x18100] =	vst v63  }
0xc9: {  	v3 =	vadd.s32 v1, v3  }
0xca: {  	[tilespmem:s29], [sflag:$0x1] =	stream.indirect_vreg.gather [hbm4b:s6+s3], $0x80, v4, vm0, $0xb8;
	[tilespmem:$0x18100] =	vst v63  }
0xcb: {  	_ = 	snop  }
0xcc: {  	[tilespmem:s9], [sflag:$0x1] =	stream.indirect_vreg.gather [hbm4b:s7+s3], $0x80, v4, vm0, $0xb8;
	[tilespmem:$0x18100] =	vst v63  }
0xcd: {  	_ = 	snop  }
0xce: {  	[tilespmem:s11], [sflag:$0x1] =	stream.indirect_vreg.gather [hbm4b:s2+s3], $0x80, v3, vm0, $0xb8;
	[tilespmem:$0x18100] =	vst v63  }
0xcf: {  	_ = 	snop  }
0xd0: {  	[tilespmem:s10], [sflag:$0x1] =	stream.indirect_vreg.gather [hbm4b:s6+s3], $0x80, v3, vm0, $0xb8;
	[tilespmem:$0x18100] =	vst v63  }
0xd1: {  	s9 =	simm.s32 $0x3  }
0xd2: {  	[tilespmem:s12], [sflag:$0x1] =	stream.indirect_vreg.gather [hbm4b:s7+s3], $0x80, v3, vm0, $0xb8;
	[tilespmem:$0x18100] =	vst v63  }
0xd3: {  	_ =	swait.ge [sflag:s9], $0x3000  }
0xd4: {  	[sflag:s9] =	ssyncset.done $0x0  }
0xd5: {  	[sflag:s9] =	ssyncadd.s32 $0xFFFFD000  }
0xd6: {  	v3 =	vld [tilespmem:$0x90];
	_ =	sdelay $0x4  }
0xd7: {  	v57 =	vshrl.u32 v3, $0x3  }
0xd8: {  	v4 =	vmul.u32 $0x30, v57  }
0xd9: {  	v3 =	vand.u32 $0x7, v3  }
0xda: {  	v3 =	vor.u32 v3, v4  }
0xdb: {  	v4 =	vperm.xlane v3, v0;
	_ =	sdelay $0x1  }
0xdc: {  	v4 =	vadd.s32 v1, v4;
	_ =	sdelay $0x3  }
0xdd: {  	v3 =	vperm.xlane v3, v2  }
0xde: {  	[tilespmem:s13], [sflag:$0x2] =	stream.indirect_vreg.gather [hbm4b:s2+s3], $0x80, v4, vm0, $0xb8;
	[tilespmem:$0x18100] =	vst v63  }
0xdf: {  	v3 =	vadd.s32 v1, v3  }
0xe0: {  	[tilespmem:s14], [sflag:$0x2] =	stream.indirect_vreg.gather [hbm4b:s6+s3], $0x80, v4, vm0, $0xb8;
	[tilespmem:$0x18100] =	vst v63  }
0xe1: {  	_ = 	snop  }
0xe2: {  	[tilespmem:s15], [sflag:$0x2] =	stream.indirect_vreg.gather [hbm4b:s7+s3], $0x80, v4, vm0, $0xb8;
	[tilespmem:$0x18100] =	vst v63  }
0xe3: {  	_ = 	snop  }
0xe4: {  	[tilespmem:s30], [sflag:$0x2] =	stream.indirect_vreg.gather [hbm4b:s2+s3], $0x80, v3, vm0, $0xb8;
	[tilespmem:$0x18100] =	vst v63  }
0xe5: {  	_ = 	snop  }
0xe6: {  	[tilespmem:s16], [sflag:$0x2] =	stream.indirect_vreg.gather [hbm4b:s6+s3], $0x80, v3, vm0, $0xb8;
	[tilespmem:$0x18100] =	vst v63  }
0xe7: {  	s10 =	simm.s32 $0x4  }
0xe8: {  	[tilespmem:s17], [sflag:$0x2] =	stream.indirect_vreg.gather [hbm4b:s7+s3], $0x80, v3, vm0, $0xb8;
	[tilespmem:$0x18100] =	vst v63  }
0xe9: {  	_ =	swait.ge [sflag:s10], $0x3000  }
0xea: {  	s11 =	simm.s32 $0xA;
	[sflag:s10] =	ssyncset.done $0x0  }
0xeb: {  	s14 =	simm.s32 $0x6100;
	s13 =	rddreg [dreg:$0x5];
	[sflag:s10] =	ssyncadd.s32 $0xFFFFD000  }
0xec: {  	[hbm4b:s13+s3] =	stream.linear.scatter [tilespmem:s14], [sflag:$0xA], $0x6000, $0x38;
	[tilespmem:$0x18100] =	vst v63  }
0xed: {  	_ =	swait.ge [sflag:s11], $0x6000  }
0xee: {  	[sflag:s11] =	ssyncset.done $0x0  }
0xef: {  	[sflag:s11] =	ssyncadd.s32 $0xFFFFA000  }
0xf0: {  	v3 =	vld [tilespmem:$0xA0];
	_ =	sdelay $0x4  }
0xf1: {  	v58 =	vshrl.u32 v3, $0x3  }
0xf2: {  	v4 =	vmul.u32 $0x30, v58  }
0xf3: {  	v3 =	vand.u32 $0x7, v3  }
0xf4: {  	v3 =	vor.u32 v3, v4  }
0xf5: {  	v4 =	vperm.xlane v3, v0;
	_ =	sdelay $0x1  }
0xf6: {  	v4 =	vadd.s32 v1, v4;
	_ =	sdelay $0x3  }
0xf7: {  	v3 =	vperm.xlane v3, v2  }
0xf8: {  	[tilespmem:s14], [sflag:$0x3] =	stream.indirect_vreg.gather [hbm4b:s2+s3], $0x80, v4, vm0, $0xb8;
	[tilespmem:$0x18100] =	vst v63  }
0xf9: {  	v3 =	vadd.s32 v1, v3  }
0xfa: {  	[tilespmem:s31], [sflag:$0x3] =	stream.indirect_vreg.gather [hbm4b:s6+s3], $0x80, v4, vm0, $0xb8;
	[tilespmem:$0x18100] =	vst v63  }
0xfb: {  	_ = 	snop  }
0xfc: {  	[tilespmem:s19], [sflag:$0x3] =	stream.indirect_vreg.gather [hbm4b:s7+s3], $0x80, v4, vm0, $0xb8;
	[tilespmem:$0x18100] =	vst v63  }
0xfd: {  	_ = 	snop  }
0xfe: {  	[tilespmem:s18], [sflag:$0x3] =	stream.indirect_vreg.gather [hbm4b:s2+s3], $0x80, v3, vm0, $0xb8;
	[tilespmem:$0x18100] =	vst v63  }
0xff: {  	_ = 	snop  }
0x100: {  	[tilespmem:s20], [sflag:$0x3] =	stream.indirect_vreg.gather [hbm4b:s6+s3], $0x80, v3, vm0, $0xb8;
	[tilespmem:$0x18100] =	vst v63  }
0x101: {  	s12 =	simm.s32 $0x5  }
0x102: {  	[tilespmem:s21], [sflag:$0x3] =	stream.indirect_vreg.gather [hbm4b:s7+s3], $0x80, v3, vm0, $0xb8;
	[tilespmem:$0x18100] =	vst v63  }
0x103: {  	_ =	swait.ge [sflag:s12], $0x3000  }
0x104: {  	[sflag:s12] =	ssyncset.done $0x0  }
0x105: {  	[sflag:s12] =	ssyncadd.s32 $0xFFFFD000  }
0x106: {  	v3 =	vld [tilespmem:$0xB0];
	_ =	sdelay $0x4  }
0x107: {  	v59 =	vshrl.u32 v3, $0x3  }
0x108: {  	v4 =	vmul.u32 $0x30, v59  }
0x109: {  	v3 =	vand.u32 $0x7, v3  }
0x10a: {  	v3 =	vor.u32 v3, v4  }
0x10b: {  	v4 =	vperm.xlane v3, v0;
	_ =	sdelay $0x1  }
0x10c: {  	v4 =	vadd.s32 v1, v4;
	_ =	sdelay $0x3  }
0x10d: {  	v3 =	vperm.xlane v3, v2  }
0x10e: {  	[tilespmem:s23], [sflag:$0x4] =	stream.indirect_vreg.gather [hbm4b:s2+s3], $0x80, v4, vm0, $0xb8;
	[tilespmem:$0x18100] =	vst v63  }
0x10f: {  	v3 =	vadd.s32 v1, v3  }
0x110: {  	[tilespmem:s26], [sflag:$0x4] =	stream.indirect_vreg.gather [hbm4b:s6+s3], $0x80, v4, vm0, $0xb8;
	[tilespmem:$0x18100] =	vst v63  }
0x111: {  	s15 =	simm.s32 $0xA100  }
0x112: {  	[tilespmem:s15], [sflag:$0x4] =	stream.indirect_vreg.gather [hbm4b:s7+s3], $0x80, v4, vm0, $0xb8;
	[tilespmem:$0x18100] =	vst v63  }
0x113: {  	s16 =	simm.s32 $0xA900  }
0x114: {  	[tilespmem:s16], [sflag:$0x4] =	stream.indirect_vreg.gather [hbm4b:s2+s3], $0x80, v3, vm0, $0xb8;
	[tilespmem:$0x18100] =	vst v63  }
0x115: {  	s17 =	simm.s32 $0xB100  }
0x116: {  	[tilespmem:s17], [sflag:$0x4] =	stream.indirect_vreg.gather [hbm4b:s6+s3], $0x80, v3, vm0, $0xb8;
	[tilespmem:$0x18100] =	vst v63  }
0x117: {  	s13 =	simm.s32 $0x6  }
0x118: {  	[tilespmem:s24], [sflag:$0x4] =	stream.indirect_vreg.gather [hbm4b:s7+s3], $0x80, v3, vm0, $0xb8;
	[tilespmem:$0x18100] =	vst v63  }
0x119: {  	_ =	swait.ge [sflag:s13], $0x3000  }
0x11a: {  	[sflag:s13] =	ssyncset.done $0x0  }
0x11b: {  	s14 =	simm.s32 $0xB;
	s18 =	rddreg [dreg:$0x6];
	[sflag:s13] =	ssyncadd.s32 $0xFFFFD000  }
0x11c: {  	[hbm4b:s18+s3] =	stream.linear.scatter [tilespmem:s25], [sflag:$0xB], $0x6000, $0x38;
	[tilespmem:$0x18100] =	vst v63  }
0x11d: {  	_ =	swait.ge [sflag:s14], $0x6000  }
0x11e: {  	[sflag:s14] =	ssyncset.done $0x0  }
0x11f: {  	[sflag:s14] =	ssyncadd.s32 $0xFFFFA000  }
0x120: {  	v3 =	vld [tilespmem:$0xC0];
	_ =	sdelay $0x4  }
0x121: {  	v60 =	vshrl.u32 v3, $0x3  }
0x122: {  	v4 =	vmul.u32 $0x30, v60  }
0x123: {  	v3 =	vand.u32 $0x7, v3  }
0x124: {  	v3 =	vor.u32 v3, v4  }
0x125: {  	v4 =	vperm.xlane v3, v0;
	_ =	sdelay $0x1  }
0x126: {  	v4 =	vadd.s32 v1, v4;
	_ =	sdelay $0x3  }
0x127: {  	v3 =	vperm.xlane v3, v2  }
0x128: {  	[tilespmem:s25], [sflag:$0x5] =	stream.indirect_vreg.gather [hbm4b:s2+s3], $0x80, v4, vm0, $0xb8;
	[tilespmem:$0x18100] =	vst v63  }
0x129: {  	s29 =	simm.s32 $0xC900;
	v3 =	vadd.s32 v1, v3  }
0x12a: {  	[tilespmem:s29], [sflag:$0x5] =	stream.indirect_vreg.gather [hbm4b:s6+s3], $0x80, v4, vm0, $0xb8;
	[tilespmem:$0x18100] =	vst v63  }
0x12b: {  	s16 =	simm.s32 $0xD100  }
0x12c: {  	[tilespmem:s16], [sflag:$0x5] =	stream.indirect_vreg.gather [hbm4b:s7+s3], $0x80, v4, vm0, $0xb8;
	[tilespmem:$0x18100] =	vst v63  }
0x12d: {  	s17 =	simm.s32 $0xD900  }
0x12e: {  	[tilespmem:s17], [sflag:$0x5] =	stream.indirect_vreg.gather [hbm4b:s2+s3], $0x80, v3, vm0, $0xb8;
	[tilespmem:$0x18100] =	vst v63  }
0x12f: {  	s18 =	simm.s32 $0xE100  }
0x130: {  	[tilespmem:s18], [sflag:$0x5] =	stream.indirect_vreg.gather [hbm4b:s6+s3], $0x80, v3, vm0, $0xb8;
	[tilespmem:$0x18100] =	vst v63  }
0x131: {  	s28 =	simm.s32 $0xE900;
	s15 =	simm.s32 $0x7  }
0x132: {  	[tilespmem:s28], [sflag:$0x5] =	stream.indirect_vreg.gather [hbm4b:s7+s3], $0x80, v3, vm0, $0xb8;
	[tilespmem:$0x18100] =	vst v63  }
0x133: {  	_ =	swait.ge [sflag:s15], $0x3000  }
0x134: {  	[sflag:s15] =	ssyncset.done $0x0  }
0x135: {  	[sflag:s15] =	ssyncadd.s32 $0xFFFFD000  }
0x136: {  	v3 =	vld [tilespmem:$0xD0];
	_ =	sdelay $0x4  }
0x137: {  	v61 =	vshrl.u32 v3, $0x3  }
0x138: {  	v4 =	vmul.u32 $0x30, v61  }
0x139: {  	v3 =	vand.u32 $0x7, v3  }
0x13a: {  	v3 =	vor.u32 v3, v4  }
0x13b: {  	v4 =	vperm.xlane v3, v0;
	_ =	sdelay $0x1  }
0x13c: {  	v4 =	vadd.s32 v1, v4;
	_ =	sdelay $0x3  }
0x13d: {  	s29 =	simm.s32 $0xF100;
	v3 =	vperm.xlane v3, v2  }
0x13e: {  	[tilespmem:s29], [sflag:$0x6] =	stream.indirect_vreg.gather [hbm4b:s2+s3], $0x80, v4, vm0, $0xb8;
	[tilespmem:$0x18100] =	vst v63  }
0x13f: {  	s17 =	simm.s32 $0xF900;
	v3 =	vadd.s32 v1, v3  }
0x140: {  	[tilespmem:s17], [sflag:$0x6] =	stream.indirect_vreg.gather [hbm4b:s6+s3], $0x80, v4, vm0, $0xb8;
	[tilespmem:$0x18100] =	vst v63  }
0x141: {  	s18 =	simm.s32 $0x10100  }
0x142: {  	[tilespmem:s18], [sflag:$0x6] =	stream.indirect_vreg.gather [hbm4b:s7+s3], $0x80, v4, vm0, $0xb8;
	[tilespmem:$0x18100] =	vst v63  }
0x143: {  	s28 =	simm.s32 $0x10900  }
0x144: {  	[tilespmem:s28], [sflag:$0x6] =	stream.indirect_vreg.gather [hbm4b:s2+s3], $0x80, v3, vm0, $0xb8;
	[tilespmem:$0x18100] =	vst v63  }
0x145: {  	s29 =	simm.s32 $0x11100  }
0x146: {  	[tilespmem:s29], [sflag:$0x6] =	stream.indirect_vreg.gather [hbm4b:s6+s3], $0x80, v3, vm0, $0xb8;
	[tilespmem:$0x18100] =	vst v63  }
0x147: {  	s16 =	simm.s32 $0x8;
	s17 =	simm.s32 $0x11900  }
0x148: {  	[tilespmem:s17], [sflag:$0x6] =	stream.indirect_vreg.gather [hbm4b:s7+s3], $0x80, v3, vm0, $0xb8;
	[tilespmem:$0x18100] =	vst v63  }
0x149: {  	_ =	swait.ge [sflag:s16], $0x3000  }
0x14a: {  	[sflag:s16] =	ssyncset.done $0x0  }
0x14b: {  	s17 =	simm.s32 $0xC;
	s18 =	rddreg [dreg:$0x7];
	[sflag:s16] =	ssyncadd.s32 $0xFFFFD000  }
0x14c: {  	[hbm4b:s18+s3] =	stream.linear.scatter [tilespmem:s5], [sflag:$0xC], $0x6000, $0x38;
	[tilespmem:$0x18100] =	vst v63  }
0x14d: {  	_ =	swait.ge [sflag:s17], $0x6000  }
0x14e: {  	[sflag:s17] =	ssyncset.done $0x0  }
0x14f: {  	[sflag:s17] =	ssyncadd.s32 $0xFFFFA000  }
0x150: {  	v3 =	vld [tilespmem:$0xE0];
	_ =	sdelay $0x4  }
0x151: {  	v62 =	vshrl.u32 v3, $0x3  }
0x152: {  	v4 =	vmul.u32 $0x30, v62  }
0x153: {  	v3 =	vand.u32 $0x7, v3  }
0x154: {  	v3 =	vor.u32 v3, v4  }
0x155: {  	v4 =	vperm.xlane v3, v0;
	_ =	sdelay $0x1  }
0x156: {  	v4 =	vadd.s32 v1, v4;
	_ =	sdelay $0x3  }
0x157: {  	v3 =	vperm.xlane v3, v2  }
0x158: {  	[tilespmem:s5], [sflag:$0x7] =	stream.indirect_vreg.gather [hbm4b:s2+s3], $0x80, v4, vm0, $0xb8;
	[tilespmem:$0x18100] =	vst v63  }
0x159: {  	s29 =	simm.s32 $0x12900;
	v3 =	vadd.s32 v1, v3  }
0x15a: {  	[tilespmem:s29], [sflag:$0x7] =	stream.indirect_vreg.gather [hbm4b:s6+s3], $0x80, v4, vm0, $0xb8;
	[tilespmem:$0x18100] =	vst v63  }
0x15b: {  	s28 =	simm.s32 $0x13100  }
0x15c: {  	[tilespmem:s28], [sflag:$0x7] =	stream.indirect_vreg.gather [hbm4b:s7+s3], $0x80, v4, vm0, $0xb8;
	[tilespmem:$0x18100] =	vst v63  }
0x15d: {  	s29 =	simm.s32 $0x13900  }
0x15e: {  	[tilespmem:s29], [sflag:$0x7] =	stream.indirect_vreg.gather [hbm4b:s2+s3], $0x80, v3, vm0, $0xb8;
	[tilespmem:$0x18100] =	vst v63  }
0x15f: {  	s28 =	simm.s32 $0x14100  }
0x160: {  	[tilespmem:s28], [sflag:$0x7] =	stream.indirect_vreg.gather [hbm4b:s6+s3], $0x80, v3, vm0, $0xb8;
	[tilespmem:$0x18100] =	vst v63  }
0x161: {  	s29 =	simm.s32 $0x14900  }
0x162: {  	[tilespmem:s29], [sflag:$0x7] =	stream.indirect_vreg.gather [hbm4b:s7+s3], $0x80, v3, vm0, $0xb8;
	[tilespmem:$0x18100] =	vst v63  }
0x163: {  	_ =	swait.ge [sflag:s0], $0x3000  }
0x164: {  	[sflag:s0] =	ssyncset.done $0x0  }
0x165: {  	[sflag:s0] =	ssyncadd.s32 $0xFFFFD000  }
0x166: {  	v3 =	vld [tilespmem:$0xF0];
	_ =	sdelay $0x4  }
0x167: {  	v63 =	vshrl.u32 v3, $0x3  }
0x168: {  	v4 =	vmul.u32 $0x30, v63  }
0x169: {  	v3 =	vand.u32 $0x7, v3  }
0x16a: {  	v3 =	vor.u32 v3, v4  }
0x16b: {  	v4 =	vperm.xlane v3, v0;
	_ =	sdelay $0x1  }
0x16c: {  	v4 =	vadd.s32 v1, v4;
	_ =	sdelay $0x3  }
0x16d: {  	s18 =	simm.s32 $0x15100;
	v3 =	vperm.xlane v3, v2  }
0x16e: {  	[tilespmem:s18], [sflag:$0x8] =	stream.indirect_vreg.gather [hbm4b:s2+s3], $0x80, v4, vm0, $0xb8;
	[tilespmem:$0x18100] =	vst v63  }
0x16f: {  	s28 =	simm.s32 $0x15900;
	v3 =	vadd.s32 v1, v3  }
0x170: {  	[tilespmem:s28], [sflag:$0x8] =	stream.indirect_vreg.gather [hbm4b:s6+s3], $0x80, v4, vm0, $0xb8;
	[tilespmem:$0x18100] =	vst v63  }
0x171: {  	s29 =	simm.s32 $0x16100  }
0x172: {  	[tilespmem:s29], [sflag:$0x8] =	stream.indirect_vreg.gather [hbm4b:s7+s3], $0x80, v4, vm0, $0xb8;
	[tilespmem:$0x18100] =	vst v63  }
0x173: {  	s18 =	simm.s32 $0x16900  }
0x174: {  	[tilespmem:s18], [sflag:$0x8] =	stream.indirect_vreg.gather [hbm4b:s2+s3], $0x80, v3, vm0, $0xb8;
	[tilespmem:$0x18100] =	vst v63  }
0x175: {  	s28 =	simm.s32 $0x17100  }
0x176: {  	[tilespmem:s28], [sflag:$0x8] =	stream.indirect_vreg.gather [hbm4b:s6+s3], $0x80, v3, vm0, $0xb8;
	[tilespmem:$0x18100] =	vst v63  }
0x177: {  	s29 =	simm.s32 $0x17900  }
0x178: {  	[tilespmem:s29], [sflag:$0x8] =	stream.indirect_vreg.gather [hbm4b:s7+s3], $0x80, v3, vm0, $0xb8;
	[tilespmem:$0x18100] =	vst v63  }
0x179: {  	_ =	swait.ge [sflag:s1], $0x3000  }
0x17a: {  	[sflag:s1] =	ssyncset.done $0x0  }
0x17b: {  	s0 =	rddreg [dreg:$0x8];
	[sflag:s1] =	ssyncadd.s32 $0xFFFFD000;
	s1 =	simm.s32 $0x100  }
0x17c: {  	[hbm4b:s0+s3] =	stream.linear.scatter [tilespmem:s1], [sflag:$0x9], $0x6000, $0x38;
	[tilespmem:$0x18100] =	vst v63  }
0x17d: {  	_ =	swait.ge [sflag:s9], $0x3000  }
0x17e: {  	[sflag:s9] =	ssyncset.done $0x0  }
0x17f: {  	[sflag:s9] =	ssyncadd.s32 $0xFFFFD000  }
0x180: {  	_ =	swait.ge [sflag:s10], $0x3000  }
0x181: {  	[sflag:s10] =	ssyncset.done $0x0  }
0x182: {  	s8 =	simm.s32 $0x6100;
	s9 =	rddreg [dreg:$0x9];
	[sflag:s10] =	ssyncadd.s32 $0xFFFFD000  }
0x183: {  	[hbm4b:s9+s3] =	stream.linear.scatter [tilespmem:s8], [sflag:$0xA], $0x6000, $0x38;
	[tilespmem:$0x18100] =	vst v63  }
0x184: {  	_ =	swait.ge [sflag:s12], $0x3000  }
0x185: {  	[sflag:s12] =	ssyncset.done $0x0  }
0x186: {  	[sflag:s12] =	ssyncadd.s32 $0xFFFFD000  }
0x187: {  	_ =	swait.ge [sflag:s13], $0x3000  }
0x188: {  	[sflag:s13] =	ssyncset.done $0x0  }
0x189: {  	s18 =	rddreg [dreg:$0xa];
	[sflag:s13] =	ssyncadd.s32 $0xFFFFD000  }
0x18a: {  	[hbm4b:s18+s3] =	stream.linear.scatter [tilespmem:s25], [sflag:$0xB], $0x6000, $0x38;
	[tilespmem:$0x18100] =	vst v63  }
0x18b: {  	_ =	swait.ge [sflag:s15], $0x3000  }
0x18c: {  	[sflag:s15] =	ssyncset.done $0x0  }
0x18d: {  	[sflag:s15] =	ssyncadd.s32 $0xFFFFD000  }
0x18e: {  	_ =	swait.ge [sflag:s16], $0x3000  }
0x18f: {  	[sflag:s16] =	ssyncset.done $0x0  }
0x190: {  	s29 =	rddreg [dreg:$0xb];
	[sflag:s16] =	ssyncadd.s32 $0xFFFFD000  }
0x191: {  	[hbm4b:s29+s3] =	stream.linear.scatter [tilespmem:s5], [sflag:$0xC], $0x6000, $0x38;
	[tilespmem:$0x18100] =	vst v63  }
0x192: {  	_ =	swait.ge [sflag:s4], $0x6000  }
0x193: {  	[sflag:s4] =	ssyncset.done $0x0  }
0x194: {  	[sflag:s4] =	ssyncadd.s32 $0xFFFFA000  }
0x195: {  	_ =	swait.ge [sflag:s11], $0x6000  }
0x196: {  	[sflag:s11] =	ssyncset.done $0x0  }
0x197: {  	[sflag:s11] =	ssyncadd.s32 $0xFFFFA000  }
0x198: {  	p0 =	sne.s32 s22, $0x1;
	_ =	swait.ge [sflag:s14], $0x6000  }
.Ltmp0:
0x199: {  	[sflag:s14] =	ssyncset.done $0x0;
	(pc) =	sbr.rel @p0 .LBB2_1-.Ltmp0, $4  }
0x19a: {  	[sflag:s14] =	ssyncadd.s32 $0xFFFFA000  }
0x19b: {  	_ =	swait.ge [sflag:s17], $0x6000  }
0x19c: {  	[sflag:s17] =	ssyncset.done $0x0  }
0x19d: {  	s22 =	sadd.s32 $0xFFFFFFFF, s22;
	[sflag:s17] =	ssyncadd.s32 $0xFFFFA000  }
0x19e: {  	_ =	sfence.sel $0x180000  }
0x19f: {  	[bflag:$0x0] =	sbarrier.arrive $0xFFFF  }
0x1a0: {  	_ =	strace $0x90000047  }
0x1a1: {  	s0 =	stileid.u32;
	[bflag:$0x2] =	sbarrier.arrive $0xFFFF  }
0x1a2: {  	p0 =	sne.s32 s0, $0x0;
	s0 =	rddreg [dreg:$0x3]  }
0x1a3: {  	s0 =	sadd.s32 @!p0 $0x100000, s0  }
0x1a4: {  	[sflag:s0] =	ssyncadd.tile.s32 @!p0 $0x1;
	_ =	shalt  }
.Lfunc_end2:
_tile_overlayer_lowered:
.L_overlay_start_2:
0x1a5: {  	(tag) =	ssettag $0x2  }
0x1a6: {  	s0 =	rddreg [dreg:$0x0];
	s2 =	stileid.u32  }
0x1a7: {  	s1 =	rddreg [dreg:$0x1];
	p0 =	sne.s32 s2, $0x0  }
0x1a8: {  	s3 =	rddreg [dreg:$0x2];
	[bflag:$0x3] =	sbarrier.arrive $0xFFFF;
	s2 =	simm.s32 @!p0 $0x1C0E  }
0x1a9: {  	[timem:s3], [sflag:s2] =	dma.local @!p0 [hbm:s0], s1  }
0x1aa: {  	s0 =	simm.s32 @!p0 $0xE  }
0x1ab: {  	_ =	swait.ge @!p0 [sflag:s0], s1  }
0x1ac: {  	s1 =	ssub.s32 @!p0 $0x0, s1;
	[sflag:s0] =	ssyncset.done @!p0 $0x0  }
0x1ad: {  	[sflag:s0] =	ssyncadd.s32 @!p0 s1  }
0x1ae: {  	[bflag:$0x3] =	sbarrier.arrive $0xFFFF  }
0x1af: {  	_ =	shalt  }

</sc_bundles>
